<compile_context>
chip_gen: v7x
topology: tpu7x:2x2x1
jax: 0.10.2.dev20260603
libtpu: 0.0.44.dev20260713+nightly
codegen_flags: <defaults>
</compile_context>

<pallas_src>
import functools

import jax
import jax.numpy as jnp
from jax import lax
from jax.experimental import pallas as pl
from jax.experimental.pallas import tpu as pltpu
from jax.experimental.pallas import tpu_sc as plsc

_D = 128
_B = 512
_NW = 32
_BW = _B // _NW
_L = 16


def _sc_partials(table, rel, nfall):
    mesh = plsc.VectorSubcoreMesh(core_axis_name="c", subcore_axis_name="s")
    f32 = jnp.float32
    i32 = jnp.int32

    @functools.partial(
        pl.kernel,
        mesh=mesh,
        compiler_params=pltpu.CompilerParams(
            use_tc_tiling_on_sc=False, needs_layout_passes=False),
        out_type=jax.ShapeDtypeStruct((4 * _L * _NW,), f32),
        scratch_types=(
            pltpu.VMEM((8 * _BW,), i32),
            pltpu.VMEM((7 * _BW,), i32),
            pltpu.VMEM((7 * _BW, 2 * _D), f32),
            pltpu.VMEM((_BW, _D), f32),
            pltpu.VMEM((_BW * (_L + 1),), f32),
            pltpu.VMEM((_BW * (_L + 1),), f32),
            pltpu.VMEM((4 * _L,), f32),
            pltpu.SemaphoreType.DMA,
            pltpu.SemaphoreType.DMA,
            pltpu.SemaphoreType.DMA,
        ),
    )
    def k(table_hbm, rel_hbm, nf_hbm, out_hbm,
          xi, xcomb, vcls, vrel, accma, accmb, sall,
          sim, scm, srm):
        wid = lax.axis_index("s") * 2 + lax.axis_index("c")
        base = wid * _BW

        pltpu.async_copy(nf_hbm.at[pl.ds(8 * base, 8 * _BW)], xi, sim).wait()

        lanes = lax.broadcasted_iota(i32, (_BW,), 0)
        lanes8 = lanes * 8

        def getcol(c):
            return plsc.load_gather(xi, [lanes8 + c])

        for c in range(7):
            xcomb[pl.ds(c * _BW, _BW)] = getcol(c)
        i3r = getcol(7)

        cpc = pltpu.async_copy(table_hbm.at[xcomb], vcls, scm)
        cpr = pltpu.async_copy(rel_hbm.at[i3r], vrel, srm)
        cpc.wait()
        cpr.wait()

        def body1(r, acc):
            rd = r + _BW

            def chunk1(j, a):
                lo = pl.ds(_L * j, _L)
                hi = pl.ds(_D + _L * j, _L)
                c1 = vcls[r, lo]
                cr = vcls[r, hi]
                d1 = vcls[rd, lo]
                dr = vcls[rd, hi]
                t = jnp.maximum(
                    jnp.abs(c1 - d1) + jnp.abs(cr) - jnp.abs(dr), 0.0)
                return a + t * t

            return lax.fori_loop(0, _D // _L, chunk1, acc)

        acc1 = plsc.parallel_loop(
            0, _BW, unroll=1, carry=jnp.zeros((_L,), f32))(body1)
        sall[pl.ds(0, _L)] = acc1

        @plsc.parallel_loop(0, _BW, unroll=1)
        def body2(r):
            rc = r + 2 * _BW
            rd = r + 3 * _BW
            re = r + 4 * _BW
            def chunk2(j, accs):
                aa, ab = accs
                lo = pl.ds(_L * j, _L)
                hi = pl.ds(_D + _L * j, _L)
                c1 = vcls[rc, lo]
                c2 = jnp.abs(vcls[rc, hi])
                d1 = vcls[rd, lo]
                d2 = jnp.abs(vcls[rd, hi])
                e1 = vcls[re, lo]
                e2 = jnp.abs(vcls[re, hi])
                start = jnp.maximum(c1 - c2, d1 - d2)
                end = jnp.minimum(c1 + c2, d1 + d2)
                diff = start - end
                cen = (start + end) * 0.5
                t1 = jnp.maximum(
                    jnp.abs(cen - e1) + jnp.abs(diff) * 0.5 - e2, 0.0)
                t2 = jnp.maximum(diff, 0.0)
                return (aa + t1 * t1, ab + t2 * t2)

            aa, ab = lax.fori_loop(
                0, _D // _L, chunk2,
                (jnp.zeros((_L,), f32), jnp.zeros((_L,), f32)))
            accma[pl.ds(r * (_L + 1), _L)] = aa
            accmb[pl.ds(r * (_L + 1), _L)] = ab

        def body3(r, acc):
            rc = r + 5 * _BW
            rd = r + 6 * _BW

            def chunk3(j, a):
                lo = pl.ds(_L * j, _L)
                hi = pl.ds(_D + _L * j, _L)
                c1 = vcls[rc, lo]
                cr = vcls[rc, hi]
                d1 = vcls[rd, lo]
                dr = vcls[rd, hi]
                rr = vrel[r, lo]
                t = jnp.maximum(
                    jnp.abs(c1 + rr - d1) + jnp.abs(cr) - jnp.abs(dr), 0.0)
                return a + t * t

            return lax.fori_loop(0, _D // _L, chunk3, acc)

        acc3 = plsc.parallel_loop(
            0, _BW, unroll=1, carry=jnp.zeros((_L,), f32))(body3)
        sall[pl.ds(3 * _L, _L)] = acc3

        sa = jnp.zeros((_L,), f32)
        sb = jnp.zeros((_L,), f32)
        lanes17 = lanes * (_L + 1)
        for c in range(_L):
            sa = sa + plsc.load_gather(accma, [lanes17 + c])
            sb = sb + plsc.load_gather(accmb, [lanes17 + c])
        sall[pl.ds(_L, _L)] = sa
        sall[pl.ds(2 * _L, _L)] = sb

        pltpu.sync_copy(sall, out_hbm.at[pl.ds(wid * 4 * _L, 4 * _L)])

    return k(table, rel, nfall)


def _reduce_body(p_ref, o_ref):
    p = p_ref[...]

    def blk(k):
        return jnp.sum(p[:, k * _L:(k + 1) * _L]) \
            + jnp.sum(p[:, 64 + k * _L:64 + (k + 1) * _L])

    def blk_sqrt(k):
        return jnp.sum(jnp.sqrt(p[:, k * _L:(k + 1) * _L])) \
            + jnp.sum(jnp.sqrt(p[:, 64 + k * _L:64 + (k + 1) * _L]))

    inv = 1.0 / _B
    loss = (blk(0) + blk(1) + blk(2) + blk(3)) * inv \
        + 2.0 * (blk_sqrt(1) * inv) * (blk_sqrt(2) * inv)
    o_ref[...] = jnp.full((1, 1), loss, jnp.float32)


def kernel(class_emb, rel_emb, nf1, nf2, nf3):
    i32 = jnp.int32
    nfall = jnp.stack(
        [nf1[:, 0].astype(i32), nf1[:, 1].astype(i32),
         nf2[:, 0].astype(i32), nf2[:, 1].astype(i32), nf2[:, 2].astype(i32),
         nf3[:, 0].astype(i32), nf3[:, 2].astype(i32),
         nf3[:, 1].astype(i32)],
        axis=1).reshape(-1)
    partials = _sc_partials(class_emb, rel_emb, nfall)
    out = pl.pallas_call(
        _reduce_body,
        out_shape=jax.ShapeDtypeStruct((1, 1), jnp.float32),
    )(partials.reshape(_L, 2 * 64))
    return out[0, 0]

# --- scband reference (transcript-rebuilt; emitter-appended) ---
"""Pipeline reference for scband-elbe-22187801051887 (READ-ONLY COPY).

The authoritative reference and input builder live on the scoring server;
editing this copy changes nothing except your own understanding.
"""

import jax, jax.numpy as jnp
import numpy as np

EMB_DIM = 128
CLASS_NUM = 1000
REL_NUM = 500
BATCH = 512
MARGIN1 = 0.0


def setup_inputs(seed: int = 0) -> dict:
    key = jax.random.key(seed)
    k1, k2, k3, k4, k5 = jax.random.split(key, 5)
    class_emb = jax.random.uniform(k1, (CLASS_NUM, EMB_DIM * 2), minval=-1.0, maxval=1.0, dtype=jnp.float32)
    class_emb = class_emb / jnp.linalg.norm(class_emb, axis=1, keepdims=True)
    rel_emb = jax.random.uniform(k2, (REL_NUM, EMB_DIM), minval=-1.0, maxval=1.0, dtype=jnp.float32)
    rel_emb = rel_emb / jnp.linalg.norm(rel_emb, axis=1, keepdims=True)
    nf1 = jax.random.randint(k3, (BATCH, 2), 0, CLASS_NUM, dtype=jnp.int64) if jax.config.jax_enable_x64 else jax.random.randint(k3, (BATCH, 2), 0, CLASS_NUM)
    nf2 = jax.random.randint(k4, (BATCH, 3), 0, CLASS_NUM)
    nf3 = jax.random.randint(k5, (BATCH, 3), 0, REL_NUM)
    return {"class_emb": class_emb, "rel_emb": rel_emb, "nf1": nf1, "nf2": nf2, "nf3": nf3}


def _nf1_loss(class_emb, nf1):
    c = jnp.take(class_emb, nf1[:, 0], axis=0)
    d = jnp.take(class_emb, nf1[:, 1], axis=0)
    c1 = c[:, :EMB_DIM]
    d1 = d[:, :EMB_DIM]
    cr = jnp.abs(c[:, EMB_DIM:])
    dr = jnp.abs(d[:, EMB_DIM:])
    euc = jnp.abs(c1 - d1)
    dst = jnp.linalg.norm(jnp.maximum(euc + cr - dr - MARGIN1, 0.0), axis=1).reshape(-1, 1)
    return jnp.mean(dst ** 2)


def _nf2_loss(class_emb, nf2):
    c = jnp.take(class_emb, nf2[:, 0], axis=0)
    d = jnp.take(class_emb, nf2[:, 1], axis=0)
    e = jnp.take(class_emb, nf2[:, 2], axis=0)
    c1 = c[:, :EMB_DIM]
    d1 = d[:, :EMB_DIM]
    e1 = e[:, :EMB_DIM]
    c2 = jnp.abs(c[:, EMB_DIM:])
    d2 = jnp.abs(d[:, EMB_DIM:])
    e2 = jnp.abs(e[:, EMB_DIM:])
    startAll = jnp.maximum(c1 - c2, d1 - d2)
    endAll = jnp.minimum(c1 + c2, d1 + d2)
    newR = jnp.abs(startAll - endAll) / 2.0
    er = jnp.abs(e2)
    cen1 = (startAll + endAll) / 2.0
    euc = jnp.abs(cen1 - e1)
    # NOTE: faithful to original torch code, the [-1,1] column + 1-D row broadcast to [B, B]
    dst = jnp.linalg.norm(jnp.maximum(euc + newR - er - MARGIN1, 0.0), axis=1).reshape(-1, 1) \
        + jnp.linalg.norm(jnp.maximum(startAll - endAll, 0.0), axis=1)
    return jnp.mean(dst ** 2)


def _nf3_loss(class_emb, rel_emb, nf3):
    c = jnp.take(class_emb, nf3[:, 0], axis=0)
    r = jnp.take(rel_emb, nf3[:, 1], axis=0)
    d = jnp.take(class_emb, nf3[:, 2], axis=0)
    c1 = c[:, :EMB_DIM]
    d1 = d[:, :EMB_DIM]
    cr = jnp.abs(c[:, EMB_DIM:])
    dr = jnp.abs(d[:, EMB_DIM:])
    cen1 = c1 + r
    euc = jnp.abs(cen1 - d1)
    dst = jnp.linalg.norm(jnp.maximum(euc + cr - dr - MARGIN1, 0.0), axis=1).reshape(-1, 1)
    return jnp.mean(dst ** 2)


def reference(class_emb, rel_emb, nf1, nf2, nf3):
    # torch forward: MSELoss(dst, zeros) == mean(dst**2) per axiom type; losses summed.
    loss1 = _nf1_loss(class_emb, nf1)
    loss2 = _nf2_loss(class_emb, nf2)
    loss3 = _nf3_loss(class_emb, rel_emb, nf3)
    return loss1 + loss2 + loss3

if __name__ == "__main__":
    import jax
    _d = setup_inputs()
    print(jax.jit(kernel)(*tuple(_d.values())))

</pallas_src>

<mosaic_0001>
#map = affine_map<(d0, d1) -> (0, 0)>
#map1 = affine_map<(d0, d1) -> (0)>
module attributes {stable_mosaic.version = 14 : i64} {
  func.func @k(%arg0: i32, %arg1: i32, %arg2: memref<1000x256xf32, #tpu.memory_space<hbm>>, %arg3: memref<500x128xf32, #tpu.memory_space<hbm>>, %arg4: memref<4096xi32, #tpu.memory_space<hbm>>, %arg5: memref<2048xf32, #tpu.memory_space<hbm>>, %arg6: memref<128xi32, #tpu.memory_space<vmem>>, %arg7: memref<112xi32, #tpu.memory_space<vmem>>, %arg8: memref<112x256xf32, #tpu.memory_space<vmem>>, %arg9: memref<16x128xf32, #tpu.memory_space<vmem>>, %arg10: memref<272xf32, #tpu.memory_space<vmem>>, %arg11: memref<272xf32, #tpu.memory_space<vmem>>, %arg12: memref<64xf32, #tpu.memory_space<vmem>>, %arg13: memref<!tpu.dma_semaphore, #tpu.memory_space<semaphore_mem>>, %arg14: memref<!tpu.dma_semaphore, #tpu.memory_space<semaphore_mem>>, %arg15: memref<!tpu.dma_semaphore, #tpu.memory_space<semaphore_mem>>) attributes {dimension_semantics = [#tpu.dimension_semantics<core_parallel>, #tpu.dimension_semantics<subcore_parallel>], iteration_bounds = array<i64: 2, 16>, scalar_prefetch = 0 : i64, scratch_operands = 10 : i64, tpu.core_type = #tpu.core_type<sc_vector_subcore>, window_params = [{transform_indices = #map}, {transform_indices = #map}, {transform_indices = #map1}, {transform_indices = #map1}]} {
    %mul3A = arith.constant 2 : i32
    %mul3A_0 = arith.muli %arg1, %mul3A : i32
    %add3A = arith.addi %mul3A_0, %arg0 : i32
    %mul3A_1 = arith.constant 16 : i32
    %mul3A_2 = arith.muli %add3A, %mul3A_1 : i32
    %mul3A_3 = arith.constant 8 : i32
    %mul3A_4 = arith.muli %mul3A_3, %mul3A_2 : i32
    %dma_start3A = tpu.memref_slice %arg4[%mul3A_4] : memref<4096xi32, #tpu.memory_space<hbm>> -> memref<128xi32, #tpu.memory_space<hbm>>
    %dma_start3A_5 = tpu.memref_slice %arg4[%mul3A_4] : memref<4096xi32, #tpu.memory_space<hbm>> -> memref<128xi32, #tpu.memory_space<hbm>>
    tpu.enqueue_dma source(%dma_start3A_5 : memref<128xi32, #tpu.memory_space<hbm>>) target(%arg6 : memref<128xi32, #tpu.memory_space<vmem>>) target_semaphore(%arg13 : memref<!tpu.dma_semaphore, #tpu.memory_space<semaphore_mem>>)
    %dma_wait3A = tpu.memref_slice %arg4[%mul3A_4] : memref<4096xi32, #tpu.memory_space<hbm>> -> memref<128xi32, #tpu.memory_space<hbm>>
    %dma_wait3A_6 = tpu.memref_slice %arg4[%mul3A_4] : memref<4096xi32, #tpu.memory_space<hbm>> -> memref<128xi32, #tpu.memory_space<hbm>>
    tpu.wait_dma2 semaphore(%arg13 : memref<!tpu.dma_semaphore, #tpu.memory_space<semaphore_mem>>) src(%dma_wait3A_6 : memref<128xi32, #tpu.memory_space<hbm>>) dst(%arg6 : memref<128xi32, #tpu.memory_space<vmem>>)
    %iota3A = tpu.iota {dimensions = array<i32: 0>} : vector<16xi32>
    %mul3A_7 = arith.constant 8 : i32
    %mul3A_8 = vector.broadcast %mul3A_7 : i32 to vector<16xi32>
    %mul3A_9 = arith.muli %iota3A, %mul3A_8 : vector<16xi32>
    %add3A_10 = arith.constant 0 : i32
    %add3A_11 = vector.broadcast %add3A_10 : i32 to vector<16xi32>
    %add3A_12 = arith.addi %mul3A_9, %add3A_11 : vector<16xi32>
    %gather3A = tpu.vector_load_idx %arg6[%add3A_12] : memref<128xi32, #tpu.memory_space<vmem>>[vector<16xi32>], vector<16xi32>,
    %swap3A = arith.constant 0 : index
    %swap3A_13 = tpu.vector_load %arg7[%swap3A] {strides = array<i32>} : memref<112xi32, #tpu.memory_space<vmem>>, vector<16xi32>,
    tpu.vector_store %arg7[%swap3A], %gather3A {strides = array<i32>} : memref<112xi32, #tpu.memory_space<vmem>>, vector<16xi32>,
    %add3A_14 = arith.constant 1 : i32
    %add3A_15 = vector.broadcast %add3A_14 : i32 to vector<16xi32>
    %add3A_16 = arith.addi %mul3A_9, %add3A_15 : vector<16xi32>
    %gather3A_17 = tpu.vector_load_idx %arg6[%add3A_16] : memref<128xi32, #tpu.memory_space<vmem>>[vector<16xi32>], vector<16xi32>,
    %swap3A_18 = arith.constant 16 : index
    %swap3A_19 = tpu.vector_load %arg7[%swap3A_18] {strides = array<i32>} : memref<112xi32, #tpu.memory_space<vmem>>, vector<16xi32>,
    tpu.vector_store %arg7[%swap3A_18], %gather3A_17 {strides = array<i32>} : memref<112xi32, #tpu.memory_space<vmem>>, vector<16xi32>,
    %add3A_20 = arith.constant 2 : i32
    %add3A_21 = vector.broadcast %add3A_20 : i32 to vector<16xi32>
    %add3A_22 = arith.addi %mul3A_9, %add3A_21 : vector<16xi32>
    %gather3A_23 = tpu.vector_load_idx %arg6[%add3A_22] : memref<128xi32, #tpu.memory_space<vmem>>[vector<16xi32>], vector<16xi32>,
    %swap3A_24 = arith.constant 32 : index
    %swap3A_25 = tpu.vector_load %arg7[%swap3A_24] {strides = array<i32>} : memref<112xi32, #tpu.memory_space<vmem>>, vector<16xi32>,
    tpu.vector_store %arg7[%swap3A_24], %gather3A_23 {strides = array<i32>} : memref<112xi32, #tpu.memory_space<vmem>>, vector<16xi32>,
    %add3A_26 = arith.constant 3 : i32
    %add3A_27 = vector.broadcast %add3A_26 : i32 to vector<16xi32>
    %add3A_28 = arith.addi %mul3A_9, %add3A_27 : vector<16xi32>
    %gather3A_29 = tpu.vector_load_idx %arg6[%add3A_28] : memref<128xi32, #tpu.memory_space<vmem>>[vector<16xi32>], vector<16xi32>,
    %swap3A_30 = arith.constant 48 : index
    %swap3A_31 = tpu.vector_load %arg7[%swap3A_30] {strides = array<i32>} : memref<112xi32, #tpu.memory_space<vmem>>, vector<16xi32>,
    tpu.vector_store %arg7[%swap3A_30], %gather3A_29 {strides = array<i32>} : memref<112xi32, #tpu.memory_space<vmem>>, vector<16xi32>,
    %add3A_32 = arith.constant 4 : i32
    %add3A_33 = vector.broadcast %add3A_32 : i32 to vector<16xi32>
    %add3A_34 = arith.addi %mul3A_9, %add3A_33 : vector<16xi32>
    %gather3A_35 = tpu.vector_load_idx %arg6[%add3A_34] : memref<128xi32, #tpu.memory_space<vmem>>[vector<16xi32>], vector<16xi32>,
    %swap3A_36 = arith.constant 64 : index
    %swap3A_37 = tpu.vector_load %arg7[%swap3A_36] {strides = array<i32>} : memref<112xi32, #tpu.memory_space<vmem>>, vector<16xi32>,
    tpu.vector_store %arg7[%swap3A_36], %gather3A_35 {strides = array<i32>} : memref<112xi32, #tpu.memory_space<vmem>>, vector<16xi32>,
    %add3A_38 = arith.constant 5 : i32
    %add3A_39 = vector.broadcast %add3A_38 : i32 to vector<16xi32>
    %add3A_40 = arith.addi %mul3A_9, %add3A_39 : vector<16xi32>
    %gather3A_41 = tpu.vector_load_idx %arg6[%add3A_40] : memref<128xi32, #tpu.memory_space<vmem>>[vector<16xi32>], vector<16xi32>,
    %swap3A_42 = arith.constant 80 : index
    %swap3A_43 = tpu.vector_load %arg7[%swap3A_42] {strides = array<i32>} : memref<112xi32, #tpu.memory_space<vmem>>, vector<16xi32>,
    tpu.vector_store %arg7[%swap3A_42], %gather3A_41 {strides = array<i32>} : memref<112xi32, #tpu.memory_space<vmem>>, vector<16xi32>,
    %add3A_44 = arith.constant 6 : i32
    %add3A_45 = vector.broadcast %add3A_44 : i32 to vector<16xi32>
    %add3A_46 = arith.addi %mul3A_9, %add3A_45 : vector<16xi32>
    %gather3A_47 = tpu.vector_load_idx %arg6[%add3A_46] : memref<128xi32, #tpu.memory_space<vmem>>[vector<16xi32>], vector<16xi32>,
    %swap3A_48 = arith.constant 96 : index
    %swap3A_49 = tpu.vector_load %arg7[%swap3A_48] {strides = array<i32>} : memref<112xi32, #tpu.memory_space<vmem>>, vector<16xi32>,
    tpu.vector_store %arg7[%swap3A_48], %gather3A_47 {strides = array<i32>} : memref<112xi32, #tpu.memory_space<vmem>>, vector<16xi32>,
    %add3A_50 = arith.constant 7 : i32
    %add3A_51 = vector.broadcast %add3A_50 : i32 to vector<16xi32>
    %add3A_52 = arith.addi %mul3A_9, %add3A_51 : vector<16xi32>
    %gather3A_53 = tpu.vector_load_idx %arg6[%add3A_52] : memref<128xi32, #tpu.memory_space<vmem>>[vector<16xi32>], vector<16xi32>,
    %dma_start3A_54 = arith.constant 0 : i32
    %dma_start3A_55 = arith.constant 0 : i32
    %dma_start3A_56 = tpu.memref_slice %arg2[%dma_start3A_54, %dma_start3A_55] : memref<1000x256xf32, #tpu.memory_space<hbm>> -> memref<1000x256xf32, #tpu.memory_space<hbm>>
    tpu.enqueue_indirect_dma source(%dma_start3A_56 : memref<1000x256xf32, #tpu.memory_space<hbm>>) target(%arg8 : memref<112x256xf32, #tpu.memory_space<vmem>>) offsets(%arg7 : memref<112xi32, #tpu.memory_space<vmem>>) semaphore(%arg14 : memref<!tpu.dma_semaphore, #tpu.memory_space<semaphore_mem>>)
    %dma_start3A_57 = arith.constant 0 : i32
    %dma_start3A_58 = arith.constant 0 : i32
    %dma_start3A_59 = tpu.memref_slice %arg3[%dma_start3A_57, %dma_start3A_58] : memref<500x128xf32, #tpu.memory_space<hbm>> -> memref<500x128xf32, #tpu.memory_space<hbm>>
    tpu.enqueue_indirect_dma source(%dma_start3A_59 : memref<500x128xf32, #tpu.memory_space<hbm>>) target(%arg9 : memref<16x128xf32, #tpu.memory_space<vmem>>) offsets(%gather3A_53 : vector<16xi32>) semaphore(%arg15 : memref<!tpu.dma_semaphore, #tpu.memory_space<semaphore_mem>>)
    %dma_wait3A_60 = arith.constant 0 : i32
    %dma_wait3A_61 = arith.constant 0 : i32
    %dma_wait3A_62 = tpu.memref_slice %arg2[%dma_wait3A_60, %dma_wait3A_61] : memref<1000x256xf32, #tpu.memory_space<hbm>> -> memref<1000x256xf32, #tpu.memory_space<hbm>>
    tpu.wait_indirect_dma semaphore(%arg14 : memref<!tpu.dma_semaphore, #tpu.memory_space<semaphore_mem>>) src(%dma_wait3A_62 : memref<1000x256xf32, #tpu.memory_space<hbm>>) dst(%arg8 : memref<112x256xf32, #tpu.memory_space<vmem>>)
    %dma_wait3A_63 = arith.constant 0 : i32
    %dma_wait3A_64 = arith.constant 0 : i32
    %dma_wait3A_65 = tpu.memref_slice %arg3[%dma_wait3A_63, %dma_wait3A_64] : memref<500x128xf32, #tpu.memory_space<hbm>> -> memref<500x128xf32, #tpu.memory_space<hbm>>
    tpu.wait_indirect_dma semaphore(%arg15 : memref<!tpu.dma_semaphore, #tpu.memory_space<semaphore_mem>>) src(%dma_wait3A_65 : memref<500x128xf32, #tpu.memory_space<hbm>>) dst(%arg9 : memref<16x128xf32, #tpu.memory_space<vmem>>)
    %broadcast_in_dim3A = arith.constant 0.000000e+00 : f32
    %broadcast_in_dim3A_66 = vector.broadcast %broadcast_in_dim3A : f32 to vector<16xf32>
    %parallel_loop3A = arith.constant 0 : i32
    %parallel_loop3A_67 = arith.constant 16 : i32
    %parallel_loop3A_68 = arith.constant 1 : i32
    %parallel_loop3A_69 = scf.for %parallel_loop3A_258 = %parallel_loop3A to %parallel_loop3A_67 step %parallel_loop3A_68 iter_args(%parallel_loop3A_259 = %broadcast_in_dim3A_66) -> (vector<16xf32>)  : i32 {
      %parallel_loop3A_260 = arith.constant 16 : i32
      %parallel_loop3A_261 = arith.addi %parallel_loop3A_258, %parallel_loop3A_260 : i32
      %parallel_loop3A_262 = arith.constant 0 : i32
      %parallel_loop3A_263 = arith.constant 8 : i32
      %parallel_loop3A_264 = arith.addi %parallel_loop3A_262, %parallel_loop3A_263 : i32
      %parallel_loop3A_265 = arith.constant 1 : i32
      %parallel_loop3A_266 = scf.for %scan3A = %parallel_loop3A_262 to %parallel_loop3A_264 step %parallel_loop3A_265 iter_args(%scan3A_268 = %parallel_loop3A_259) -> (vector<16xf32>)  : i32 {
        %parallel_loop3A_269 = arith.constant 16 : i32
        %parallel_loop3A_270 = arith.muli %parallel_loop3A_269, %scan3A : i32
        %parallel_loop3A_271 = arith.constant 16 : i32
        %parallel_loop3A_272 = arith.muli %parallel_loop3A_271, %scan3A : i32
        %parallel_loop3A_273 = arith.constant 128 : i32
        %parallel_loop3A_274 = arith.addi %parallel_loop3A_273, %parallel_loop3A_272 : i32
        %parallel_loop3A_275 = arith.index_cast %parallel_loop3A_258 : i32 to index
        %parallel_loop3A_276 = arith.index_cast %parallel_loop3A_270 : i32 to index
        %parallel_loop3A_277 = tpu.vector_load %arg8[%parallel_loop3A_275, %parallel_loop3A_276] {strides = array<i32>} : memref<112x256xf32, #tpu.memory_space<vmem>>, vector<16xf32>,
        %parallel_loop3A_278 = arith.index_cast %parallel_loop3A_258 : i32 to index
        %parallel_loop3A_279 = arith.index_cast %parallel_loop3A_274 : i32 to index
        %parallel_loop3A_280 = tpu.vector_load %arg8[%parallel_loop3A_278, %parallel_loop3A_279] {strides = array<i32>} : memref<112x256xf32, #tpu.memory_space<vmem>>, vector<16xf32>,
        %parallel_loop3A_281 = arith.index_cast %parallel_loop3A_261 : i32 to index
        %parallel_loop3A_282 = arith.index_cast %parallel_loop3A_270 : i32 to index
        %parallel_loop3A_283 = tpu.vector_load %arg8[%parallel_loop3A_281, %parallel_loop3A_282] {strides = array<i32>} : memref<112x256xf32, #tpu.memory_space<vmem>>, vector<16xf32>,
        %parallel_loop3A_284 = arith.index_cast %parallel_loop3A_261 : i32 to index
        %parallel_loop3A_285 = arith.index_cast %parallel_loop3A_274 : i32 to index
        %parallel_loop3A_286 = tpu.vector_load %arg8[%parallel_loop3A_284, %parallel_loop3A_285] {strides = array<i32>} : memref<112x256xf32, #tpu.memory_space<vmem>>, vector<16xf32>,
        %parallel_loop3A_287 = arith.subf %parallel_loop3A_277, %parallel_loop3A_283 : vector<16xf32>
        %parallel_loop3A_288 = math.absf %parallel_loop3A_287 : vector<16xf32>
        %parallel_loop3A_289 = math.absf %parallel_loop3A_280 : vector<16xf32>
        %parallel_loop3A_290 = arith.addf %parallel_loop3A_288, %parallel_loop3A_289 : vector<16xf32>
        %parallel_loop3A_291 = math.absf %parallel_loop3A_286 : vector<16xf32>
        %parallel_loop3A_292 = arith.subf %parallel_loop3A_290, %parallel_loop3A_291 : vector<16xf32>
        %parallel_loop3A_293 = arith.constant 0.000000e+00 : f32
        %parallel_loop3A_294 = vector.broadcast %parallel_loop3A_293 : f32 to vector<16xf32>
        %parallel_loop3A_295 = arith.maximumf %parallel_loop3A_292, %parallel_loop3A_294 : vector<16xf32>
        %parallel_loop3A_296 = arith.mulf %parallel_loop3A_295, %parallel_loop3A_295 : vector<16xf32>
        %parallel_loop3A_297 = arith.addf %scan3A_268, %parallel_loop3A_296 : vector<16xf32>
        scf.yield %parallel_loop3A_297 : vector<16xf32>
      }
      %parallel_loop3A_267 = arith.constant 8 : i32
      scf.yield %parallel_loop3A_266 : vector<16xf32>
    } {sc.loop_unroll_factor = 1 : i64, sc.parallel_access}
    %swap3A_70 = arith.constant 0 : index
    %swap3A_71 = tpu.vector_load %arg12[%swap3A_70] {strides = array<i32>} : memref<64xf32, #tpu.memory_space<vmem>>, vector<16xf32>,
    tpu.vector_store %arg12[%swap3A_70], %parallel_loop3A_69 {strides = array<i32>} : memref<64xf32, #tpu.memory_space<vmem>>, vector<16xf32>,
    %parallel_loop3A_72 = arith.constant 0 : i32
    %parallel_loop3A_73 = arith.constant 16 : i32
    %parallel_loop3A_74 = arith.constant 1 : i32
    scf.for %parallel_loop3A_258 = %parallel_loop3A_72 to %parallel_loop3A_73 step %parallel_loop3A_74  : i32 {
      %parallel_loop3A_259 = arith.constant 32 : i32
      %parallel_loop3A_260 = arith.addi %parallel_loop3A_258, %parallel_loop3A_259 : i32
      %parallel_loop3A_261 = arith.constant 48 : i32
      %parallel_loop3A_262 = arith.addi %parallel_loop3A_258, %parallel_loop3A_261 : i32
      %parallel_loop3A_263 = arith.constant 64 : i32
      %parallel_loop3A_264 = arith.addi %parallel_loop3A_258, %parallel_loop3A_263 : i32
      %parallel_loop3A_265 = arith.constant 0.000000e+00 : f32
      %parallel_loop3A_266 = vector.broadcast %parallel_loop3A_265 : f32 to vector<16xf32>
      %parallel_loop3A_267 = arith.constant 0.000000e+00 : f32
      %parallel_loop3A_268 = vector.broadcast %parallel_loop3A_267 : f32 to vector<16xf32>
      %parallel_loop3A_269 = arith.constant 0 : i32
      %parallel_loop3A_270 = arith.constant 8 : i32
      %parallel_loop3A_271 = arith.addi %parallel_loop3A_269, %parallel_loop3A_270 : i32
      %parallel_loop3A_272 = arith.constant 1 : i32
      %parallel_loop3A_273:2 = scf.for %scan3A = %parallel_loop3A_269 to %parallel_loop3A_271 step %parallel_loop3A_272 iter_args(%scan3A_283 = %parallel_loop3A_266, %scan3A_284 = %parallel_loop3A_268) -> (vector<16xf32>, vector<16xf32>)  : i32 {
        %parallel_loop3A_285 = arith.constant 16 : i32
        %parallel_loop3A_286 = arith.muli %parallel_loop3A_285, %scan3A : i32
        %parallel_loop3A_287 = arith.constant 16 : i32
        %parallel_loop3A_288 = arith.muli %parallel_loop3A_287, %scan3A : i32
        %parallel_loop3A_289 = arith.constant 128 : i32
        %parallel_loop3A_290 = arith.addi %parallel_loop3A_289, %parallel_loop3A_288 : i32
        %parallel_loop3A_291 = arith.index_cast %parallel_loop3A_260 : i32 to index
        %parallel_loop3A_292 = arith.index_cast %parallel_loop3A_286 : i32 to index
        %parallel_loop3A_293 = tpu.vector_load %arg8[%parallel_loop3A_291, %parallel_loop3A_292] {strides = array<i32>} : memref<112x256xf32, #tpu.memory_space<vmem>>, vector<16xf32>,
        %parallel_loop3A_294 = arith.index_cast %parallel_loop3A_260 : i32 to index
        %parallel_loop3A_295 = arith.index_cast %parallel_loop3A_290 : i32 to index
        %parallel_loop3A_296 = tpu.vector_load %arg8[%parallel_loop3A_294, %parallel_loop3A_295] {strides = array<i32>} : memref<112x256xf32, #tpu.memory_space<vmem>>, vector<16xf32>,
        %parallel_loop3A_297 = math.absf %parallel_loop3A_296 : vector<16xf32>
        %parallel_loop3A_298 = arith.index_cast %parallel_loop3A_262 : i32 to index
        %parallel_loop3A_299 = arith.index_cast %parallel_loop3A_286 : i32 to index
        %parallel_loop3A_300 = tpu.vector_load %arg8[%parallel_loop3A_298, %parallel_loop3A_299] {strides = array<i32>} : memref<112x256xf32, #tpu.memory_space<vmem>>, vector<16xf32>,
        %parallel_loop3A_301 = arith.index_cast %parallel_loop3A_262 : i32 to index
        %parallel_loop3A_302 = arith.index_cast %parallel_loop3A_290 : i32 to index
        %parallel_loop3A_303 = tpu.vector_load %arg8[%parallel_loop3A_301, %parallel_loop3A_302] {strides = array<i32>} : memref<112x256xf32, #tpu.memory_space<vmem>>, vector<16xf32>,
        %parallel_loop3A_304 = math.absf %parallel_loop3A_303 : vector<16xf32>
        %parallel_loop3A_305 = arith.index_cast %parallel_loop3A_264 : i32 to index
        %parallel_loop3A_306 = arith.index_cast %parallel_loop3A_286 : i32 to index
        %parallel_loop3A_307 = tpu.vector_load %arg8[%parallel_loop3A_305, %parallel_loop3A_306] {strides = array<i32>} : memref<112x256xf32, #tpu.memory_space<vmem>>, vector<16xf32>,
        %parallel_loop3A_308 = arith.index_cast %parallel_loop3A_264 : i32 to index
        %parallel_loop3A_309 = arith.index_cast %parallel_loop3A_290 : i32 to index
        %parallel_loop3A_310 = tpu.vector_load %arg8[%parallel_loop3A_308, %parallel_loop3A_309] {strides = array<i32>} : memref<112x256xf32, #tpu.memory_space<vmem>>, vector<16xf32>,
        %parallel_loop3A_311 = math.absf %parallel_loop3A_310 : vector<16xf32>
        %parallel_loop3A_312 = arith.subf %parallel_loop3A_293, %parallel_loop3A_297 : vector<16xf32>
        %parallel_loop3A_313 = arith.subf %parallel_loop3A_300, %parallel_loop3A_304 : vector<16xf32>
        %parallel_loop3A_314 = arith.maximumf %parallel_loop3A_312, %parallel_loop3A_313 : vector<16xf32>
        %parallel_loop3A_315 = arith.addf %parallel_loop3A_293, %parallel_loop3A_297 : vector<16xf32>
        %parallel_loop3A_316 = arith.addf %parallel_loop3A_300, %parallel_loop3A_304 : vector<16xf32>
        %parallel_loop3A_317 = arith.minimumf %parallel_loop3A_315, %parallel_loop3A_316 : vector<16xf32>
        %parallel_loop3A_318 = arith.subf %parallel_loop3A_314, %parallel_loop3A_317 : vector<16xf32>
        %parallel_loop3A_319 = arith.addf %parallel_loop3A_314, %parallel_loop3A_317 : vector<16xf32>
        %parallel_loop3A_320 = arith.constant 5.000000e-01 : f32
        %parallel_loop3A_321 = vector.broadcast %parallel_loop3A_320 : f32 to vector<16xf32>
        %parallel_loop3A_322 = arith.mulf %parallel_loop3A_319, %parallel_loop3A_321 : vector<16xf32>
        %parallel_loop3A_323 = arith.subf %parallel_loop3A_322, %parallel_loop3A_307 : vector<16xf32>
        %parallel_loop3A_324 = math.absf %parallel_loop3A_323 : vector<16xf32>
        %parallel_loop3A_325 = math.absf %parallel_loop3A_318 : vector<16xf32>
        %parallel_loop3A_326 = arith.constant 5.000000e-01 : f32
        %parallel_loop3A_327 = vector.broadcast %parallel_loop3A_326 : f32 to vector<16xf32>
        %parallel_loop3A_328 = arith.mulf %parallel_loop3A_325, %parallel_loop3A_327 : vector<16xf32>
        %parallel_loop3A_329 = arith.addf %parallel_loop3A_324, %parallel_loop3A_328 : vector<16xf32>
        %parallel_loop3A_330 = arith.subf %parallel_loop3A_329, %parallel_loop3A_311 : vector<16xf32>
        %parallel_loop3A_331 = arith.constant 0.000000e+00 : f32
        %parallel_loop3A_332 = vector.broadcast %parallel_loop3A_331 : f32 to vector<16xf32>
        %parallel_loop3A_333 = arith.maximumf %parallel_loop3A_330, %parallel_loop3A_332 : vector<16xf32>
        %parallel_loop3A_334 = arith.constant 0.000000e+00 : f32
        %parallel_loop3A_335 = vector.broadcast %parallel_loop3A_334 : f32 to vector<16xf32>
        %parallel_loop3A_336 = arith.maximumf %parallel_loop3A_318, %parallel_loop3A_335 : vector<16xf32>
        %parallel_loop3A_337 = arith.mulf %parallel_loop3A_333, %parallel_loop3A_333 : vector<16xf32>
        %parallel_loop3A_338 = arith.addf %scan3A_283, %parallel_loop3A_337 : vector<16xf32>
        %parallel_loop3A_339 = arith.mulf %parallel_loop3A_336, %parallel_loop3A_336 : vector<16xf32>
        %parallel_loop3A_340 = arith.addf %scan3A_284, %parallel_loop3A_339 : vector<16xf32>
        scf.yield %parallel_loop3A_338, %parallel_loop3A_340 : vector<16xf32>, vector<16xf32>
      }
      %parallel_loop3A_274 = arith.constant 8 : i32
      %parallel_loop3A_275 = arith.constant 17 : i32
      %parallel_loop3A_276 = arith.muli %parallel_loop3A_258, %parallel_loop3A_275 : i32
      %parallel_loop3A_277 = arith.index_cast %parallel_loop3A_276 : i32 to index
      %parallel_loop3A_278 = tpu.vector_load %arg10[%parallel_loop3A_277] {strides = array<i32>} : memref<272xf32, #tpu.memory_space<vmem>>, vector<16xf32>,
      tpu.vector_store %arg10[%parallel_loop3A_277], %parallel_loop3A_273#0 {strides = array<i32>} : memref<272xf32, #tpu.memory_space<vmem>>, vector<16xf32>,
      %parallel_loop3A_279 = arith.constant 17 : i32
      %parallel_loop3A_280 = arith.muli %parallel_loop3A_258, %parallel_loop3A_279 : i32
      %parallel_loop3A_281 = arith.index_cast %parallel_loop3A_280 : i32 to index
      %parallel_loop3A_282 = tpu.vector_load %arg11[%parallel_loop3A_281] {strides = array<i32>} : memref<272xf32, #tpu.memory_space<vmem>>, vector<16xf32>,
      tpu.vector_store %arg11[%parallel_loop3A_281], %parallel_loop3A_273#1 {strides = array<i32>} : memref<272xf32, #tpu.memory_space<vmem>>, vector<16xf32>,
    } {sc.loop_unroll_factor = 1 : i64, sc.parallel_access}
    %broadcast_in_dim3A_75 = arith.constant 0.000000e+00 : f32
    %broadcast_in_dim3A_76 = vector.broadcast %broadcast_in_dim3A_75 : f32 to vector<16xf32>
    %parallel_loop3A_77 = arith.constant 0 : i32
    %parallel_loop3A_78 = arith.constant 16 : i32
    %parallel_loop3A_79 = arith.constant 1 : i32
    %parallel_loop3A_80 = scf.for %parallel_loop3A_258 = %parallel_loop3A_77 to %parallel_loop3A_78 step %parallel_loop3A_79 iter_args(%parallel_loop3A_259 = %broadcast_in_dim3A_76) -> (vector<16xf32>)  : i32 {
      %parallel_loop3A_260 = arith.constant 80 : i32
      %parallel_loop3A_261 = arith.addi %parallel_loop3A_258, %parallel_loop3A_260 : i32
      %parallel_loop3A_262 = arith.constant 96 : i32
      %parallel_loop3A_263 = arith.addi %parallel_loop3A_258, %parallel_loop3A_262 : i32
      %parallel_loop3A_264 = arith.constant 0 : i32
      %parallel_loop3A_265 = arith.constant 8 : i32
      %parallel_loop3A_266 = arith.addi %parallel_loop3A_264, %parallel_loop3A_265 : i32
      %parallel_loop3A_267 = arith.constant 1 : i32
      %parallel_loop3A_268 = scf.for %scan3A = %parallel_loop3A_264 to %parallel_loop3A_266 step %parallel_loop3A_267 iter_args(%scan3A_270 = %parallel_loop3A_259) -> (vector<16xf32>)  : i32 {
        %parallel_loop3A_271 = arith.constant 16 : i32
        %parallel_loop3A_272 = arith.muli %parallel_loop3A_271, %scan3A : i32
        %parallel_loop3A_273 = arith.constant 16 : i32
        %parallel_loop3A_274 = arith.muli %parallel_loop3A_273, %scan3A : i32
        %parallel_loop3A_275 = arith.constant 128 : i32
        %parallel_loop3A_276 = arith.addi %parallel_loop3A_275, %parallel_loop3A_274 : i32
        %parallel_loop3A_277 = arith.index_cast %parallel_loop3A_261 : i32 to index
        %parallel_loop3A_278 = arith.index_cast %parallel_loop3A_272 : i32 to index
        %parallel_loop3A_279 = tpu.vector_load %arg8[%parallel_loop3A_277, %parallel_loop3A_278] {strides = array<i32>} : memref<112x256xf32, #tpu.memory_space<vmem>>, vector<16xf32>,
        %parallel_loop3A_280 = arith.index_cast %parallel_loop3A_261 : i32 to index
        %parallel_loop3A_281 = arith.index_cast %parallel_loop3A_276 : i32 to index
        %parallel_loop3A_282 = tpu.vector_load %arg8[%parallel_loop3A_280, %parallel_loop3A_281] {strides = array<i32>} : memref<112x256xf32, #tpu.memory_space<vmem>>, vector<16xf32>,
        %parallel_loop3A_283 = arith.index_cast %parallel_loop3A_263 : i32 to index
        %parallel_loop3A_284 = arith.index_cast %parallel_loop3A_272 : i32 to index
        %parallel_loop3A_285 = tpu.vector_load %arg8[%parallel_loop3A_283, %parallel_loop3A_284] {strides = array<i32>} : memref<112x256xf32, #tpu.memory_space<vmem>>, vector<16xf32>,
        %parallel_loop3A_286 = arith.index_cast %parallel_loop3A_263 : i32 to index
        %parallel_loop3A_287 = arith.index_cast %parallel_loop3A_276 : i32 to index
        %parallel_loop3A_288 = tpu.vector_load %arg8[%parallel_loop3A_286, %parallel_loop3A_287] {strides = array<i32>} : memref<112x256xf32, #tpu.memory_space<vmem>>, vector<16xf32>,
        %parallel_loop3A_289 = arith.index_cast %parallel_loop3A_258 : i32 to index
        %parallel_loop3A_290 = arith.index_cast %parallel_loop3A_272 : i32 to index
        %parallel_loop3A_291 = tpu.vector_load %arg9[%parallel_loop3A_289, %parallel_loop3A_290] {strides = array<i32>} : memref<16x128xf32, #tpu.memory_space<vmem>>, vector<16xf32>,
        %parallel_loop3A_292 = arith.addf %parallel_loop3A_279, %parallel_loop3A_291 : vector<16xf32>
        %parallel_loop3A_293 = arith.subf %parallel_loop3A_292, %parallel_loop3A_285 : vector<16xf32>
        %parallel_loop3A_294 = math.absf %parallel_loop3A_293 : vector<16xf32>
        %parallel_loop3A_295 = math.absf %parallel_loop3A_282 : vector<16xf32>
        %parallel_loop3A_296 = arith.addf %parallel_loop3A_294, %parallel_loop3A_295 : vector<16xf32>
        %parallel_loop3A_297 = math.absf %parallel_loop3A_288 : vector<16xf32>
        %parallel_loop3A_298 = arith.subf %parallel_loop3A_296, %parallel_loop3A_297 : vector<16xf32>
        %parallel_loop3A_299 = arith.constant 0.000000e+00 : f32
        %parallel_loop3A_300 = vector.broadcast %parallel_loop3A_299 : f32 to vector<16xf32>
        %parallel_loop3A_301 = arith.maximumf %parallel_loop3A_298, %parallel_loop3A_300 : vector<16xf32>
        %parallel_loop3A_302 = arith.mulf %parallel_loop3A_301, %parallel_loop3A_301 : vector<16xf32>
        %parallel_loop3A_303 = arith.addf %scan3A_270, %parallel_loop3A_302 : vector<16xf32>
        scf.yield %parallel_loop3A_303 : vector<16xf32>
      }
      %parallel_loop3A_269 = arith.constant 8 : i32
      scf.yield %parallel_loop3A_268 : vector<16xf32>
    } {sc.loop_unroll_factor = 1 : i64, sc.parallel_access}
    %swap3A_81 = arith.constant 48 : index
    %swap3A_82 = tpu.vector_load %arg12[%swap3A_81] {strides = array<i32>} : memref<64xf32, #tpu.memory_space<vmem>>, vector<16xf32>,
    tpu.vector_store %arg12[%swap3A_81], %parallel_loop3A_80 {strides = array<i32>} : memref<64xf32, #tpu.memory_space<vmem>>, vector<16xf32>,
    %broadcast_in_dim3A_83 = arith.constant 0.000000e+00 : f32
    %broadcast_in_dim3A_84 = vector.broadcast %broadcast_in_dim3A_83 : f32 to vector<16xf32>
    %broadcast_in_dim3A_85 = arith.constant 0.000000e+00 : f32
    %broadcast_in_dim3A_86 = vector.broadcast %broadcast_in_dim3A_85 : f32 to vector<16xf32>
    %mul3A_87 = arith.constant 17 : i32
    %mul3A_88 = vector.broadcast %mul3A_87 : i32 to vector<16xi32>
    %mul3A_89 = arith.muli %iota3A, %mul3A_88 : vector<16xi32>
    %add3A_90 = arith.constant 0 : i32
    %add3A_91 = vector.broadcast %add3A_90 : i32 to vector<16xi32>
    %add3A_92 = arith.addi %mul3A_89, %add3A_91 : vector<16xi32>
    %gather3A_93 = tpu.vector_load_idx %arg10[%add3A_92] : memref<272xf32, #tpu.memory_space<vmem>>[vector<16xi32>], vector<16xf32>,
    %add3A_94 = arith.addf %broadcast_in_dim3A_84, %gather3A_93 : vector<16xf32>
    %add3A_95 = arith.constant 0 : i32
    %add3A_96 = vector.broadcast %add3A_95 : i32 to vector<16xi32>
    %add3A_97 = arith.addi %mul3A_89, %add3A_96 : vector<16xi32>
    %gather3A_98 = tpu.vector_load_idx %arg11[%add3A_97] : memref<272xf32, #tpu.memory_space<vmem>>[vector<16xi32>], vector<16xf32>,
    %add3A_99 = arith.addf %broadcast_in_dim3A_86, %gather3A_98 : vector<16xf32>
    %add3A_100 = arith.constant 1 : i32
    %add3A_101 = vector.broadcast %add3A_100 : i32 to vector<16xi32>
    %add3A_102 = arith.addi %mul3A_89, %add3A_101 : vector<16xi32>
    %gather3A_103 = tpu.vector_load_idx %arg10[%add3A_102] : memref<272xf32, #tpu.memory_space<vmem>>[vector<16xi32>], vector<16xf32>,
    %add3A_104 = arith.addf %add3A_94, %gather3A_103 : vector<16xf32>
    %add3A_105 = arith.constant 1 : i32
    %add3A_106 = vector.broadcast %add3A_105 : i32 to vector<16xi32>
    %add3A_107 = arith.addi %mul3A_89, %add3A_106 : vector<16xi32>
    %gather3A_108 = tpu.vector_load_idx %arg11[%add3A_107] : memref<272xf32, #tpu.memory_space<vmem>>[vector<16xi32>], vector<16xf32>,
    %add3A_109 = arith.addf %add3A_99, %gather3A_108 : vector<16xf32>
    %add3A_110 = arith.constant 2 : i32
    %add3A_111 = vector.broadcast %add3A_110 : i32 to vector<16xi32>
    %add3A_112 = arith.addi %mul3A_89, %add3A_111 : vector<16xi32>
    %gather3A_113 = tpu.vector_load_idx %arg10[%add3A_112] : memref<272xf32, #tpu.memory_space<vmem>>[vector<16xi32>], vector<16xf32>,
    %add3A_114 = arith.addf %add3A_104, %gather3A_113 : vector<16xf32>
    %add3A_115 = arith.constant 2 : i32
    %add3A_116 = vector.broadcast %add3A_115 : i32 to vector<16xi32>
    %add3A_117 = arith.addi %mul3A_89, %add3A_116 : vector<16xi32>
    %gather3A_118 = tpu.vector_load_idx %arg11[%add3A_117] : memref<272xf32, #tpu.memory_space<vmem>>[vector<16xi32>], vector<16xf32>,
    %add3A_119 = arith.addf %add3A_109, %gather3A_118 : vector<16xf32>
    %add3A_120 = arith.constant 3 : i32
    %add3A_121 = vector.broadcast %add3A_120 : i32 to vector<16xi32>
    %add3A_122 = arith.addi %mul3A_89, %add3A_121 : vector<16xi32>
    %gather3A_123 = tpu.vector_load_idx %arg10[%add3A_122] : memref<272xf32, #tpu.memory_space<vmem>>[vector<16xi32>], vector<16xf32>,
    %add3A_124 = arith.addf %add3A_114, %gather3A_123 : vector<16xf32>
    %add3A_125 = arith.constant 3 : i32
    %add3A_126 = vector.broadcast %add3A_125 : i32 to vector<16xi32>
    %add3A_127 = arith.addi %mul3A_89, %add3A_126 : vector<16xi32>
    %gather3A_128 = tpu.vector_load_idx %arg11[%add3A_127] : memref<272xf32, #tpu.memory_space<vmem>>[vector<16xi32>], vector<16xf32>,
    %add3A_129 = arith.addf %add3A_119, %gather3A_128 : vector<16xf32>
    %add3A_130 = arith.constant 4 : i32
    %add3A_131 = vector.broadcast %add3A_130 : i32 to vector<16xi32>
    %add3A_132 = arith.addi %mul3A_89, %add3A_131 : vector<16xi32>
    %gather3A_133 = tpu.vector_load_idx %arg10[%add3A_132] : memref<272xf32, #tpu.memory_space<vmem>>[vector<16xi32>], vector<16xf32>,
    %add3A_134 = arith.addf %add3A_124, %gather3A_133 : vector<16xf32>
    %add3A_135 = arith.constant 4 : i32
    %add3A_136 = vector.broadcast %add3A_135 : i32 to vector<16xi32>
    %add3A_137 = arith.addi %mul3A_89, %add3A_136 : vector<16xi32>
    %gather3A_138 = tpu.vector_load_idx %arg11[%add3A_137] : memref<272xf32, #tpu.memory_space<vmem>>[vector<16xi32>], vector<16xf32>,
    %add3A_139 = arith.addf %add3A_129, %gather3A_138 : vector<16xf32>
    %add3A_140 = arith.constant 5 : i32
    %add3A_141 = vector.broadcast %add3A_140 : i32 to vector<16xi32>
    %add3A_142 = arith.addi %mul3A_89, %add3A_141 : vector<16xi32>
    %gather3A_143 = tpu.vector_load_idx %arg10[%add3A_142] : memref<272xf32, #tpu.memory_space<vmem>>[vector<16xi32>], vector<16xf32>,
    %add3A_144 = arith.addf %add3A_134, %gather3A_143 : vector<16xf32>
    %add3A_145 = arith.constant 5 : i32
    %add3A_146 = vector.broadcast %add3A_145 : i32 to vector<16xi32>
    %add3A_147 = arith.addi %mul3A_89, %add3A_146 : vector<16xi32>
    %gather3A_148 = tpu.vector_load_idx %arg11[%add3A_147] : memref<272xf32, #tpu.memory_space<vmem>>[vector<16xi32>], vector<16xf32>,
    %add3A_149 = arith.addf %add3A_139, %gather3A_148 : vector<16xf32>
    %add3A_150 = arith.constant 6 : i32
    %add3A_151 = vector.broadcast %add3A_150 : i32 to vector<16xi32>
    %add3A_152 = arith.addi %mul3A_89, %add3A_151 : vector<16xi32>
    %gather3A_153 = tpu.vector_load_idx %arg10[%add3A_152] : memref<272xf32, #tpu.memory_space<vmem>>[vector<16xi32>], vector<16xf32>,
    %add3A_154 = arith.addf %add3A_144, %gather3A_153 : vector<16xf32>
    %add3A_155 = arith.constant 6 : i32
    %add3A_156 = vector.broadcast %add3A_155 : i32 to vector<16xi32>
    %add3A_157 = arith.addi %mul3A_89, %add3A_156 : vector<16xi32>
    %gather3A_158 = tpu.vector_load_idx %arg11[%add3A_157] : memref<272xf32, #tpu.memory_space<vmem>>[vector<16xi32>], vector<16xf32>,
    %add3A_159 = arith.addf %add3A_149, %gather3A_158 : vector<16xf32>
    %add3A_160 = arith.constant 7 : i32
    %add3A_161 = vector.broadcast %add3A_160 : i32 to vector<16xi32>
    %add3A_162 = arith.addi %mul3A_89, %add3A_161 : vector<16xi32>
    %gather3A_163 = tpu.vector_load_idx %arg10[%add3A_162] : memref<272xf32, #tpu.memory_space<vmem>>[vector<16xi32>], vector<16xf32>,
    %add3A_164 = arith.addf %add3A_154, %gather3A_163 : vector<16xf32>
    %add3A_165 = arith.constant 7 : i32
    %add3A_166 = vector.broadcast %add3A_165 : i32 to vector<16xi32>
    %add3A_167 = arith.addi %mul3A_89, %add3A_166 : vector<16xi32>
    %gather3A_168 = tpu.vector_load_idx %arg11[%add3A_167] : memref<272xf32, #tpu.memory_space<vmem>>[vector<16xi32>], vector<16xf32>,
    %add3A_169 = arith.addf %add3A_159, %gather3A_168 : vector<16xf32>
    %add3A_170 = arith.constant 8 : i32
    %add3A_171 = vector.broadcast %add3A_170 : i32 to vector<16xi32>
    %add3A_172 = arith.addi %mul3A_89, %add3A_171 : vector<16xi32>
    %gather3A_173 = tpu.vector_load_idx %arg10[%add3A_172] : memref<272xf32, #tpu.memory_space<vmem>>[vector<16xi32>], vector<16xf32>,
    %add3A_174 = arith.addf %add3A_164, %gather3A_173 : vector<16xf32>
    %add3A_175 = arith.constant 8 : i32
    %add3A_176 = vector.broadcast %add3A_175 : i32 to vector<16xi32>
    %add3A_177 = arith.addi %mul3A_89, %add3A_176 : vector<16xi32>
    %gather3A_178 = tpu.vector_load_idx %arg11[%add3A_177] : memref<272xf32, #tpu.memory_space<vmem>>[vector<16xi32>], vector<16xf32>,
    %add3A_179 = arith.addf %add3A_169, %gather3A_178 : vector<16xf32>
    %add3A_180 = arith.constant 9 : i32
    %add3A_181 = vector.broadcast %add3A_180 : i32 to vector<16xi32>
    %add3A_182 = arith.addi %mul3A_89, %add3A_181 : vector<16xi32>
    %gather3A_183 = tpu.vector_load_idx %arg10[%add3A_182] : memref<272xf32, #tpu.memory_space<vmem>>[vector<16xi32>], vector<16xf32>,
    %add3A_184 = arith.addf %add3A_174, %gather3A_183 : vector<16xf32>
    %add3A_185 = arith.constant 9 : i32
    %add3A_186 = vector.broadcast %add3A_185 : i32 to vector<16xi32>
    %add3A_187 = arith.addi %mul3A_89, %add3A_186 : vector<16xi32>
    %gather3A_188 = tpu.vector_load_idx %arg11[%add3A_187] : memref<272xf32, #tpu.memory_space<vmem>>[vector<16xi32>], vector<16xf32>,
    %add3A_189 = arith.addf %add3A_179, %gather3A_188 : vector<16xf32>
    %add3A_190 = arith.constant 10 : i32
    %add3A_191 = vector.broadcast %add3A_190 : i32 to vector<16xi32>
    %add3A_192 = arith.addi %mul3A_89, %add3A_191 : vector<16xi32>
    %gather3A_193 = tpu.vector_load_idx %arg10[%add3A_192] : memref<272xf32, #tpu.memory_space<vmem>>[vector<16xi32>], vector<16xf32>,
    %add3A_194 = arith.addf %add3A_184, %gather3A_193 : vector<16xf32>
    %add3A_195 = arith.constant 10 : i32
    %add3A_196 = vector.broadcast %add3A_195 : i32 to vector<16xi32>
    %add3A_197 = arith.addi %mul3A_89, %add3A_196 : vector<16xi32>
    %gather3A_198 = tpu.vector_load_idx %arg11[%add3A_197] : memref<272xf32, #tpu.memory_space<vmem>>[vector<16xi32>], vector<16xf32>,
    %add3A_199 = arith.addf %add3A_189, %gather3A_198 : vector<16xf32>
    %add3A_200 = arith.constant 11 : i32
    %add3A_201 = vector.broadcast %add3A_200 : i32 to vector<16xi32>
    %add3A_202 = arith.addi %mul3A_89, %add3A_201 : vector<16xi32>
    %gather3A_203 = tpu.vector_load_idx %arg10[%add3A_202] : memref<272xf32, #tpu.memory_space<vmem>>[vector<16xi32>], vector<16xf32>,
    %add3A_204 = arith.addf %add3A_194, %gather3A_203 : vector<16xf32>
    %add3A_205 = arith.constant 11 : i32
    %add3A_206 = vector.broadcast %add3A_205 : i32 to vector<16xi32>
    %add3A_207 = arith.addi %mul3A_89, %add3A_206 : vector<16xi32>
    %gather3A_208 = tpu.vector_load_idx %arg11[%add3A_207] : memref<272xf32, #tpu.memory_space<vmem>>[vector<16xi32>], vector<16xf32>,
    %add3A_209 = arith.addf %add3A_199, %gather3A_208 : vector<16xf32>
    %add3A_210 = arith.constant 12 : i32
    %add3A_211 = vector.broadcast %add3A_210 : i32 to vector<16xi32>
    %add3A_212 = arith.addi %mul3A_89, %add3A_211 : vector<16xi32>
    %gather3A_213 = tpu.vector_load_idx %arg10[%add3A_212] : memref<272xf32, #tpu.memory_space<vmem>>[vector<16xi32>], vector<16xf32>,
    %add3A_214 = arith.addf %add3A_204, %gather3A_213 : vector<16xf32>
    %add3A_215 = arith.constant 12 : i32
    %add3A_216 = vector.broadcast %add3A_215 : i32 to vector<16xi32>
    %add3A_217 = arith.addi %mul3A_89, %add3A_216 : vector<16xi32>
    %gather3A_218 = tpu.vector_load_idx %arg11[%add3A_217] : memref<272xf32, #tpu.memory_space<vmem>>[vector<16xi32>], vector<16xf32>,
    %add3A_219 = arith.addf %add3A_209, %gather3A_218 : vector<16xf32>
    %add3A_220 = arith.constant 13 : i32
    %add3A_221 = vector.broadcast %add3A_220 : i32 to vector<16xi32>
    %add3A_222 = arith.addi %mul3A_89, %add3A_221 : vector<16xi32>
    %gather3A_223 = tpu.vector_load_idx %arg10[%add3A_222] : memref<272xf32, #tpu.memory_space<vmem>>[vector<16xi32>], vector<16xf32>,
    %add3A_224 = arith.addf %add3A_214, %gather3A_223 : vector<16xf32>
    %add3A_225 = arith.constant 13 : i32
    %add3A_226 = vector.broadcast %add3A_225 : i32 to vector<16xi32>
    %add3A_227 = arith.addi %mul3A_89, %add3A_226 : vector<16xi32>
    %gather3A_228 = tpu.vector_load_idx %arg11[%add3A_227] : memref<272xf32, #tpu.memory_space<vmem>>[vector<16xi32>], vector<16xf32>,
    %add3A_229 = arith.addf %add3A_219, %gather3A_228 : vector<16xf32>
    %add3A_230 = arith.constant 14 : i32
    %add3A_231 = vector.broadcast %add3A_230 : i32 to vector<16xi32>
    %add3A_232 = arith.addi %mul3A_89, %add3A_231 : vector<16xi32>
    %gather3A_233 = tpu.vector_load_idx %arg10[%add3A_232] : memref<272xf32, #tpu.memory_space<vmem>>[vector<16xi32>], vector<16xf32>,
    %add3A_234 = arith.addf %add3A_224, %gather3A_233 : vector<16xf32>
    %add3A_235 = arith.constant 14 : i32
    %add3A_236 = vector.broadcast %add3A_235 : i32 to vector<16xi32>
    %add3A_237 = arith.addi %mul3A_89, %add3A_236 : vector<16xi32>
    %gather3A_238 = tpu.vector_load_idx %arg11[%add3A_237] : memref<272xf32, #tpu.memory_space<vmem>>[vector<16xi32>], vector<16xf32>,
    %add3A_239 = arith.addf %add3A_229, %gather3A_238 : vector<16xf32>
    %add3A_240 = arith.constant 15 : i32
    %add3A_241 = vector.broadcast %add3A_240 : i32 to vector<16xi32>
    %add3A_242 = arith.addi %mul3A_89, %add3A_241 : vector<16xi32>
    %gather3A_243 = tpu.vector_load_idx %arg10[%add3A_242] : memref<272xf32, #tpu.memory_space<vmem>>[vector<16xi32>], vector<16xf32>,
    %add3A_244 = arith.addf %add3A_234, %gather3A_243 : vector<16xf32>
    %add3A_245 = arith.constant 15 : i32
    %add3A_246 = vector.broadcast %add3A_245 : i32 to vector<16xi32>
    %add3A_247 = arith.addi %mul3A_89, %add3A_246 : vector<16xi32>
    %gather3A_248 = tpu.vector_load_idx %arg11[%add3A_247] : memref<272xf32, #tpu.memory_space<vmem>>[vector<16xi32>], vector<16xf32>,
    %add3A_249 = arith.addf %add3A_239, %gather3A_248 : vector<16xf32>
    %swap3A_250 = arith.constant 16 : index
    %swap3A_251 = tpu.vector_load %arg12[%swap3A_250] {strides = array<i32>} : memref<64xf32, #tpu.memory_space<vmem>>, vector<16xf32>,
    tpu.vector_store %arg12[%swap3A_250], %add3A_244 {strides = array<i32>} : memref<64xf32, #tpu.memory_space<vmem>>, vector<16xf32>,
    %swap3A_252 = arith.constant 32 : index
    %swap3A_253 = tpu.vector_load %arg12[%swap3A_252] {strides = array<i32>} : memref<64xf32, #tpu.memory_space<vmem>>, vector<16xf32>,
    tpu.vector_store %arg12[%swap3A_252], %add3A_249 {strides = array<i32>} : memref<64xf32, #tpu.memory_space<vmem>>, vector<16xf32>,
    %mul3A_254 = arith.constant 4 : i32
    %mul3A_255 = arith.muli %add3A, %mul3A_254 : i32
    %mul3A_256 = arith.constant 16 : i32
    %mul3A_257 = arith.muli %mul3A_255, %mul3A_256 : i32
    "tpu.region"() ({
      %run_scoped3A = tpu.sem_alloc : memref<!tpu.dma_semaphore, #tpu.memory_space<semaphore_mem>>
      %dma_start3A_258 = tpu.memref_slice %arg5[%mul3A_257] : memref<2048xf32, #tpu.memory_space<hbm>> -> memref<64xf32, #tpu.memory_space<hbm>>
      %dma_start3A_259 = tpu.memref_slice %arg5[%mul3A_257] : memref<2048xf32, #tpu.memory_space<hbm>> -> memref<64xf32, #tpu.memory_space<hbm>>
      tpu.enqueue_dma source(%arg12 : memref<64xf32, #tpu.memory_space<vmem>>) target(%dma_start3A_259 : memref<64xf32, #tpu.memory_space<hbm>>) target_semaphore(%run_scoped3A : memref<!tpu.dma_semaphore, #tpu.memory_space<semaphore_mem>>)
      %dma_wait3A_260 = tpu.memref_slice %arg5[%mul3A_257] : memref<2048xf32, #tpu.memory_space<hbm>> -> memref<64xf32, #tpu.memory_space<hbm>>
      %dma_wait3A_261 = tpu.memref_slice %arg5[%mul3A_257] : memref<2048xf32, #tpu.memory_space<hbm>> -> memref<64xf32, #tpu.memory_space<hbm>>
      tpu.wait_dma2 semaphore(%run_scoped3A : memref<!tpu.dma_semaphore, #tpu.memory_space<semaphore_mem>>) src(%arg12 : memref<64xf32, #tpu.memory_space<vmem>>) dst(%dma_wait3A_261 : memref<64xf32, #tpu.memory_space<hbm>>)
      tpu.yield
    }) : () -> ()
    return
  }
}

module attributes {stable_mosaic.version = 14 : i64} {
  func.func @_reduce_body(%arg0: memref<16x128xf32, #tpu.memory_space<vmem>>, %arg1: memref<1x1xf32, #tpu.memory_space<vmem>>) attributes {dimension_semantics = [], scalar_prefetch = 0 : i64, scratch_operands = 0 : i64, tpu.core_type = #tpu.core_type<tc>} {
    %get3A = arith.constant 0 : index
    %get3A_0 = arith.constant 0 : index
    %get3A_1 = vector.load %arg0[%get3A, %get3A_0] : memref<16x128xf32, #tpu.memory_space<vmem>>, vector<16x128xf32>
    %slice3A = vector.extract_strided_slice %get3A_1 {offsets = [0, 0], sizes = [16, 16], strides = [1, 1]} : vector<16x128xf32> to vector<16x16xf32>
    %reduce_sum3A = vector.shape_cast %slice3A : vector<16x16xf32> to vector<1x16x16xf32>
    %reduce_sum3A_2 = arith.constant dense<0.000000e+00> : vector<1xf32>
    %reduce_sum3A_3 = vector.multi_reduction <add>, %reduce_sum3A, %reduce_sum3A_2 [1, 2] : vector<1x16x16xf32> to vector<1xf32>
    %reduce_sum3A_4 = vector.shape_cast %reduce_sum3A_3 : vector<1xf32> to vector<1x1x1xf32>
    %reduce_sum3A_5 = vector.extract %reduce_sum3A_4[0, 0, 0] : f32 from vector<1x1x1xf32>
    %slice3A_6 = vector.extract_strided_slice %get3A_1 {offsets = [0, 64], sizes = [16, 16], strides = [1, 1]} : vector<16x128xf32> to vector<16x16xf32>
    %reduce_sum3A_7 = vector.shape_cast %slice3A_6 : vector<16x16xf32> to vector<1x16x16xf32>
    %reduce_sum3A_8 = arith.constant dense<0.000000e+00> : vector<1xf32>
    %reduce_sum3A_9 = vector.multi_reduction <add>, %reduce_sum3A_7, %reduce_sum3A_8 [1, 2] : vector<1x16x16xf32> to vector<1xf32>
    %reduce_sum3A_10 = vector.shape_cast %reduce_sum3A_9 : vector<1xf32> to vector<1x1x1xf32>
    %reduce_sum3A_11 = vector.extract %reduce_sum3A_10[0, 0, 0] : f32 from vector<1x1x1xf32>
    %add3A = arith.addf %reduce_sum3A_5, %reduce_sum3A_11 : f32
    %slice3A_12 = vector.extract_strided_slice %get3A_1 {offsets = [0, 16], sizes = [16, 16], strides = [1, 1]} : vector<16x128xf32> to vector<16x16xf32>
    %reduce_sum3A_13 = vector.shape_cast %slice3A_12 : vector<16x16xf32> to vector<1x16x16xf32>
    %reduce_sum3A_14 = arith.constant dense<0.000000e+00> : vector<1xf32>
    %reduce_sum3A_15 = vector.multi_reduction <add>, %reduce_sum3A_13, %reduce_sum3A_14 [1, 2] : vector<1x16x16xf32> to vector<1xf32>
    %reduce_sum3A_16 = vector.shape_cast %reduce_sum3A_15 : vector<1xf32> to vector<1x1x1xf32>
    %reduce_sum3A_17 = vector.extract %reduce_sum3A_16[0, 0, 0] : f32 from vector<1x1x1xf32>
    %slice3A_18 = vector.extract_strided_slice %get3A_1 {offsets = [0, 80], sizes = [16, 16], strides = [1, 1]} : vector<16x128xf32> to vector<16x16xf32>
    %reduce_sum3A_19 = vector.shape_cast %slice3A_18 : vector<16x16xf32> to vector<1x16x16xf32>
    %reduce_sum3A_20 = arith.constant dense<0.000000e+00> : vector<1xf32>
    %reduce_sum3A_21 = vector.multi_reduction <add>, %reduce_sum3A_19, %reduce_sum3A_20 [1, 2] : vector<1x16x16xf32> to vector<1xf32>
    %reduce_sum3A_22 = vector.shape_cast %reduce_sum3A_21 : vector<1xf32> to vector<1x1x1xf32>
    %reduce_sum3A_23 = vector.extract %reduce_sum3A_22[0, 0, 0] : f32 from vector<1x1x1xf32>
    %add3A_24 = arith.addf %reduce_sum3A_17, %reduce_sum3A_23 : f32
    %add3A_25 = arith.addf %add3A, %add3A_24 : f32
    %slice3A_26 = vector.extract_strided_slice %get3A_1 {offsets = [0, 32], sizes = [16, 16], strides = [1, 1]} : vector<16x128xf32> to vector<16x16xf32>
    %reduce_sum3A_27 = vector.shape_cast %slice3A_26 : vector<16x16xf32> to vector<1x16x16xf32>
    %reduce_sum3A_28 = arith.constant dense<0.000000e+00> : vector<1xf32>
    %reduce_sum3A_29 = vector.multi_reduction <add>, %reduce_sum3A_27, %reduce_sum3A_28 [1, 2] : vector<1x16x16xf32> to vector<1xf32>
    %reduce_sum3A_30 = vector.shape_cast %reduce_sum3A_29 : vector<1xf32> to vector<1x1x1xf32>
    %reduce_sum3A_31 = vector.extract %reduce_sum3A_30[0, 0, 0] : f32 from vector<1x1x1xf32>
    %slice3A_32 = vector.extract_strided_slice %get3A_1 {offsets = [0, 96], sizes = [16, 16], strides = [1, 1]} : vector<16x128xf32> to vector<16x16xf32>
    %reduce_sum3A_33 = vector.shape_cast %slice3A_32 : vector<16x16xf32> to vector<1x16x16xf32>
    %reduce_sum3A_34 = arith.constant dense<0.000000e+00> : vector<1xf32>
    %reduce_sum3A_35 = vector.multi_reduction <add>, %reduce_sum3A_33, %reduce_sum3A_34 [1, 2] : vector<1x16x16xf32> to vector<1xf32>
    %reduce_sum3A_36 = vector.shape_cast %reduce_sum3A_35 : vector<1xf32> to vector<1x1x1xf32>
    %reduce_sum3A_37 = vector.extract %reduce_sum3A_36[0, 0, 0] : f32 from vector<1x1x1xf32>
    %add3A_38 = arith.addf %reduce_sum3A_31, %reduce_sum3A_37 : f32
    %add3A_39 = arith.addf %add3A_25, %add3A_38 : f32
    %slice3A_40 = vector.extract_strided_slice %get3A_1 {offsets = [0, 48], sizes = [16, 16], strides = [1, 1]} : vector<16x128xf32> to vector<16x16xf32>
    %reduce_sum3A_41 = vector.shape_cast %slice3A_40 : vector<16x16xf32> to vector<1x16x16xf32>
    %reduce_sum3A_42 = arith.constant dense<0.000000e+00> : vector<1xf32>
    %reduce_sum3A_43 = vector.multi_reduction <add>, %reduce_sum3A_41, %reduce_sum3A_42 [1, 2] : vector<1x16x16xf32> to vector<1xf32>
    %reduce_sum3A_44 = vector.shape_cast %reduce_sum3A_43 : vector<1xf32> to vector<1x1x1xf32>
    %reduce_sum3A_45 = vector.extract %reduce_sum3A_44[0, 0, 0] : f32 from vector<1x1x1xf32>
    %slice3A_46 = vector.extract_strided_slice %get3A_1 {offsets = [0, 112], sizes = [16, 16], strides = [1, 1]} : vector<16x128xf32> to vector<16x16xf32>
    %reduce_sum3A_47 = vector.shape_cast %slice3A_46 : vector<16x16xf32> to vector<1x16x16xf32>
    %reduce_sum3A_48 = arith.constant dense<0.000000e+00> : vector<1xf32>
    %reduce_sum3A_49 = vector.multi_reduction <add>, %reduce_sum3A_47, %reduce_sum3A_48 [1, 2] : vector<1x16x16xf32> to vector<1xf32>
    %reduce_sum3A_50 = vector.shape_cast %reduce_sum3A_49 : vector<1xf32> to vector<1x1x1xf32>
    %reduce_sum3A_51 = vector.extract %reduce_sum3A_50[0, 0, 0] : f32 from vector<1x1x1xf32>
    %add3A_52 = arith.addf %reduce_sum3A_45, %reduce_sum3A_51 : f32
    %add3A_53 = arith.addf %add3A_39, %add3A_52 : f32
    %mul3A = arith.constant 0.001953125 : f32
    %mul3A_54 = arith.mulf %add3A_53, %mul3A : f32
    %slice3A_55 = vector.extract_strided_slice %get3A_1 {offsets = [0, 16], sizes = [16, 16], strides = [1, 1]} : vector<16x128xf32> to vector<16x16xf32>
    %sqrt3A = math.sqrt %slice3A_55 : vector<16x16xf32>
    %reduce_sum3A_56 = vector.shape_cast %sqrt3A : vector<16x16xf32> to vector<1x16x16xf32>
    %reduce_sum3A_57 = arith.constant dense<0.000000e+00> : vector<1xf32>
    %reduce_sum3A_58 = vector.multi_reduction <add>, %reduce_sum3A_56, %reduce_sum3A_57 [1, 2] : vector<1x16x16xf32> to vector<1xf32>
    %reduce_sum3A_59 = vector.shape_cast %reduce_sum3A_58 : vector<1xf32> to vector<1x1x1xf32>
    %reduce_sum3A_60 = vector.extract %reduce_sum3A_59[0, 0, 0] : f32 from vector<1x1x1xf32>
    %slice3A_61 = vector.extract_strided_slice %get3A_1 {offsets = [0, 80], sizes = [16, 16], strides = [1, 1]} : vector<16x128xf32> to vector<16x16xf32>
    %sqrt3A_62 = math.sqrt %slice3A_61 : vector<16x16xf32>
    %reduce_sum3A_63 = vector.shape_cast %sqrt3A_62 : vector<16x16xf32> to vector<1x16x16xf32>
    %reduce_sum3A_64 = arith.constant dense<0.000000e+00> : vector<1xf32>
    %reduce_sum3A_65 = vector.multi_reduction <add>, %reduce_sum3A_63, %reduce_sum3A_64 [1, 2] : vector<1x16x16xf32> to vector<1xf32>
    %reduce_sum3A_66 = vector.shape_cast %reduce_sum3A_65 : vector<1xf32> to vector<1x1x1xf32>
    %reduce_sum3A_67 = vector.extract %reduce_sum3A_66[0, 0, 0] : f32 from vector<1x1x1xf32>
    %add3A_68 = arith.addf %reduce_sum3A_60, %reduce_sum3A_67 : f32
    %mul3A_69 = arith.constant 0.001953125 : f32
    %mul3A_70 = arith.mulf %add3A_68, %mul3A_69 : f32
    %mul3A_71 = arith.constant 2.000000e+00 : f32
    %mul3A_72 = arith.mulf %mul3A_71, %mul3A_70 : f32
    %slice3A_73 = vector.extract_strided_slice %get3A_1 {offsets = [0, 32], sizes = [16, 16], strides = [1, 1]} : vector<16x128xf32> to vector<16x16xf32>
    %sqrt3A_74 = math.sqrt %slice3A_73 : vector<16x16xf32>
    %reduce_sum3A_75 = vector.shape_cast %sqrt3A_74 : vector<16x16xf32> to vector<1x16x16xf32>
    %reduce_sum3A_76 = arith.constant dense<0.000000e+00> : vector<1xf32>
    %reduce_sum3A_77 = vector.multi_reduction <add>, %reduce_sum3A_75, %reduce_sum3A_76 [1, 2] : vector<1x16x16xf32> to vector<1xf32>
    %reduce_sum3A_78 = vector.shape_cast %reduce_sum3A_77 : vector<1xf32> to vector<1x1x1xf32>
    %reduce_sum3A_79 = vector.extract %reduce_sum3A_78[0, 0, 0] : f32 from vector<1x1x1xf32>
    %slice3A_80 = vector.extract_strided_slice %get3A_1 {offsets = [0, 96], sizes = [16, 16], strides = [1, 1]} : vector<16x128xf32> to vector<16x16xf32>
    %sqrt3A_81 = math.sqrt %slice3A_80 : vector<16x16xf32>
    %reduce_sum3A_82 = vector.shape_cast %sqrt3A_81 : vector<16x16xf32> to vector<1x16x16xf32>
    %reduce_sum3A_83 = arith.constant dense<0.000000e+00> : vector<1xf32>
    %reduce_sum3A_84 = vector.multi_reduction <add>, %reduce_sum3A_82, %reduce_sum3A_83 [1, 2] : vector<1x16x16xf32> to vector<1xf32>
    %reduce_sum3A_85 = vector.shape_cast %reduce_sum3A_84 : vector<1xf32> to vector<1x1x1xf32>
    %reduce_sum3A_86 = vector.extract %reduce_sum3A_85[0, 0, 0] : f32 from vector<1x1x1xf32>
    %add3A_87 = arith.addf %reduce_sum3A_79, %reduce_sum3A_86 : f32
    %mul3A_88 = arith.constant 0.001953125 : f32
    %mul3A_89 = arith.mulf %add3A_87, %mul3A_88 : f32
    %mul3A_90 = arith.mulf %mul3A_72, %mul3A_89 : f32
    %add3A_91 = arith.addf %mul3A_54, %mul3A_90 : f32
    %broadcast_in_dim3A = vector.broadcast %add3A_91 : f32 to vector<1x1xf32>
    %swap3A = arith.constant 0 : index
    %swap3A_92 = arith.constant 0 : index
    %swap3A_93 = vector.load %arg1[%swap3A, %swap3A_92] : memref<1x1xf32, #tpu.memory_space<vmem>>, vector<1x1xf32>
    tpu.vector_store %arg1[%swap3A, %swap3A_92], %broadcast_in_dim3A {strides = array<i32>} : memref<1x1xf32, #tpu.memory_space<vmem>>, vector<1x1xf32>,
    return
  }
}

</mosaic_0001>

<sc_bundles>
// kernel: kernel.4.cloned.1.call-start
scs
__scs_entry_jumppad:
0x0: {  	(pc) =	sbr.rel $0x88, $3  }
0x1: {  	(tag) =	ssettag $0x0;
	lr =	simm.s32 $0x1  }
0x2: {  	[smem:$0x3F9C] =	sst lr;
	_ =	strace $0xD0000000  }
0x3: {  	_ = 	snop  }
0x4: {  	_ = 	snop  }
0x5: {  	_ = 	snop  }
0x6: {  	_ = 	snop  }
0x7: {  	_ = 	snop  }
__scs_overlays_trampoline_lowered:
0x8: {  	[smem:$0x3FAB] =	sst s0  }
0x9: {  	[smem:$0x3FAC] =	sst s1  }
0xa: {  	[smem:$0x3FAD] =	sst s2  }
0xb: {  	[smem:$0x3FAE] =	sst s3  }
0xc: {  	[smem:$0x3FAF] =	sst s4  }
0xd: {  	[smem:$0x3FB0] =	sst s5  }
0xe: {  	[smem:$0x3FB1] =	sst s6  }
0xf: {  	[smem:$0x3FB2] =	sst s7  }
0x10: {  	[smem:$0x3FB3] =	sst s8  }
0x11: {  	[smem:$0x3FB4] =	sst s9;
	s0 =	simm.s32 @!p0 $0x0  }
0x12: {  	s1 =	sld [smem:$0x3F9A];
	s0 =	simm.s32 @p0 $0x1  }
0x13: {  	[smem:$0x3FB5] =	sst s0;
	s0 =	simm.s32 @!p1 $0x0  }
0x14: {  	s2 =	sld [smem:$0x3F99];
	s0 =	simm.s32 @p1 $0x1  }
0x15: {  	[smem:$0x3FB6] =	sst s0;
	s0 =	simm.s32 @!p2 $0x0  }
0x16: {  	s3 =	sld [smem:$0x3FDB];
	s0 =	simm.s32 @p2 $0x1  }
0x17: {  	s4 =	simm.s32 $0x1BF5;
	[smem:$0x3FB8] =	sst s0  }
0x18: {  	s0 =	sld [smem:$0x3F9B];
	_ =	swait.ge [sflag:s4], $0x0  }
0x19: {  	s7 =	sld [smem:$0x3F9C]  }
0x1a: {  	s8 =	sadd.s32 $0xFFFFE003, lr  }
0x1b: {  	s9 =	sadd.s32 $0xFFFFFEF7, lr;
	s5 =	simm.s32 $0xFFFFFFFF;
	p2 =	slt.u32 s8, $0xFFFFF086  }
0x1c: {  	p1 =	slt.u32 s9, $0xF7A;
	s5 =	simm.s32 @!p2 $0x0  }
0x1d: {  	s5 =	simm.s32 @p1 $0x1;
	p0 =	seq.s32 s7, s2  }
0x1e: {  	s7 =	smul.u32 @!p0 $0xF7A, s2;
	p2 =	seq.s32 @!p0 s5, $0x0  }
0x1f: {  	s9 =	smul.u32 $0xF7A, s1;
	s8 =	simm.s32 @!p0 $0x1BF5;
	p2 =	por !p2, p0  }
0x20: {  	[sflag:s8] =	ssyncset.s32 @!p0 $0xFFFFF086;
	s6 =	sadd.s32 @!p0 s3, s7;
	s7 =	simm.s32 @!p0 $0x108  }
0x21: {  	s3 =	sadd.s32 s3, s9;
	s6 =	sadd.s32 @!p0 $0x88, s6;
	s7 =	simm.s32 @p2 $0x1082  }
0x22: {  	[simem:s7], [sflag:s8] =	dma.local @!p0 [hbm:s6], $0xF7A  }
0x23: {  	s9 =	sor.u32 $0xD0000000, s2;
	s6 =	simm.s32 $0x108;
	_ =	swait.ge @!p0 [sflag:s8], $0x0  }
0x24: {  	s3 =	sadd.s32 $0x88, s3;
	s6 =	simm.s32 @!p1 $0x1082;
	[sflag:s4] =	ssyncset.s32 $0xFFFFF086  }
0x25: {  	[simem:s6], [sflag:s4] =	dma.local [hbm:s3], $0xF7A  }
0x26: {  	[smem:$0x3F9C] =	sst s1;
	(tag) =	ssettag s2;
	_ =	strace s9  }
0x27: {  	s1 =	sld [smem:$0x3FAC]  }
0x28: {  	s2 =	sld [smem:$0x3FAD]  }
0x29: {  	s4 =	sld [smem:$0x3FAF]  }
0x2a: {  	p0 =	seq.s32 s5, $0x0;
	s5 =	sld [smem:$0x3FB0]  }
0x2b: {  	s6 =	sld [smem:$0x3FB1]  }
0x2c: {  	s7 =	sld [smem:$0x3FB2]  }
0x2d: {  	s3 =	simm.s32 $0x108;
	s8 =	sld [smem:$0x3FB3]  }
0x2e: {  	s3 =	simm.s32 @!p0 $0x1082;
	s9 =	sld [smem:$0x3FB4]  }
0x2f: {  	lr =	sadd.s32 s0, s3;
	s0 =	sld [smem:$0x3FAB]  }
0x30: {  	s3 =	sld [smem:$0x3FAE]  }
0x31: {  	[smem:$0x3FB7] =	sst s10  }
0x32: {  	s10 =	sld [smem:$0x3FB5];
	_ =	sdelay $0x3  }
0x33: {  	p0 =	seq.s32 s10, $0x1;
	s10 =	sld [smem:$0x3FB7];
	_ =	sdelay $0x3  }
0x34: {  	[smem:$0x3FB7] =	sst s10  }
0x35: {  	s10 =	sld [smem:$0x3FB6];
	_ =	sdelay $0x3  }
0x36: {  	p1 =	seq.s32 s10, $0x1;
	s10 =	sld [smem:$0x3FB7];
	_ =	sdelay $0x3  }
0x37: {  	[smem:$0x3FB7] =	sst s10  }
0x38: {  	s10 =	sld [smem:$0x3FB8]  }
0x39: {  	_ = 	snop;
	(pc) =	sbr.ind lr, $3  }
0x3a: {  	_ = 	snop  }
0x3b: {  	_ = 	snop  }
0x3c: {  	p2 =	seq.s32 s10, $0x1;
	s10 =	sld [smem:$0x3FB7]  }
0x3d: {  	_ =	shalt  }
0x3e: {  	_ =	shalt  }
0x3f: {  	_ =	shalt  }
0x40: {  	_ =	shalt  }
0x41: {  	_ =	shalt  }
0x42: {  	_ =	shalt  }
0x43: {  	_ =	shalt  }
0x44: {  	_ =	shalt  }
0x45: {  	_ =	shalt  }
0x46: {  	_ =	shalt  }
0x47: {  	_ =	shalt  }
0x48: {  	_ =	shalt  }
0x49: {  	_ =	shalt  }
0x4a: {  	_ =	shalt  }
0x4b: {  	_ =	shalt  }
0x4c: {  	_ =	shalt  }
0x4d: {  	_ =	shalt  }
0x4e: {  	_ =	shalt  }
0x4f: {  	_ =	shalt  }
0x50: {  	_ =	shalt  }
0x51: {  	_ =	shalt  }
0x52: {  	_ =	shalt  }
0x53: {  	_ =	shalt  }
0x54: {  	_ =	shalt  }
0x55: {  	_ =	shalt  }
0x56: {  	_ =	shalt  }
0x57: {  	_ =	shalt  }
0x58: {  	_ =	shalt  }
0x59: {  	_ =	shalt  }
0x5a: {  	_ =	shalt  }
0x5b: {  	_ =	shalt  }
0x5c: {  	_ =	shalt  }
0x5d: {  	_ =	shalt  }
0x5e: {  	_ =	shalt  }
0x5f: {  	_ =	shalt  }
0x60: {  	_ =	shalt  }
0x61: {  	_ =	shalt  }
0x62: {  	_ =	shalt  }
0x63: {  	_ =	shalt  }
0x64: {  	_ =	shalt  }
0x65: {  	_ =	shalt  }
0x66: {  	_ =	shalt  }
0x67: {  	_ =	shalt  }
0x68: {  	_ =	shalt  }
0x69: {  	_ =	shalt  }
0x6a: {  	_ =	shalt  }
0x6b: {  	_ =	shalt  }
0x6c: {  	_ =	shalt  }
0x6d: {  	_ =	shalt  }
0x6e: {  	_ =	shalt  }
0x6f: {  	_ =	shalt  }
0x70: {  	_ =	shalt  }
0x71: {  	_ =	shalt  }
0x72: {  	_ =	shalt  }
0x73: {  	_ =	shalt  }
0x74: {  	_ =	shalt  }
0x75: {  	_ =	shalt  }
0x76: {  	_ =	shalt  }
0x77: {  	_ =	shalt  }
0x78: {  	_ =	shalt  }
0x79: {  	_ =	shalt  }
0x7a: {  	_ =	shalt  }
0x7b: {  	_ =	shalt  }
0x7c: {  	_ =	shalt  }
0x7d: {  	_ =	shalt  }
0x7e: {  	_ =	shalt  }
0x7f: {  	_ =	shalt  }
0x80: {  	_ =	shalt  }
0x81: {  	_ =	shalt  }
0x82: {  	_ =	shalt  }
0x83: {  	_ =	shalt  }
0x84: {  	_ =	shalt  }
0x85: {  	_ =	shalt  }
0x86: {  	_ =	shalt  }
0x87: {  	_ =	shalt  }
.Lfunc_end0:
.L_simem_size_0:
called_computation_lowered:
.L_overlay_start_0:
0x88: {  	s2 =	sld [smem:$0x3FD9]  }
0x89: {  	s3 =	sld [smem:$0x3FFE];
	_ =	sdelay $0x1  }
0x8a: {  	s1 =	srdreg.scid  }
0x8b: {  	s0 =	sand.u32 $0x1, s1  }
0x8c: {  	s17 =	sshll.u32 s0, $0xA;
	s2 =	sadd.s32 s3, s2  }
0x8d: {  	s2 =	sadd.s32 s2, s17  }
0x8e: {  	[smem:$0x3FC3] =	sst s2  }
0x8f: {  	_ = 	snop  }
0x90: {  	s2 =	sld [smem:$0x3FC8];
	(tm) =	ssettm $0x1  }
0x91: {  	s18 =	sld [smem:$0x3FFB];
	_ =	sdelay $0x3  }
0x92: {  	_ =	strace s18  }
0x93: {  	s3 =	sld [smem:$0x3FFC];
	_ =	sdelay $0x3  }
0x94: {  	_ =	strace s3  }
0x95: {  	s3 =	sld [smem:$0x3FFD];
	_ =	sdelay $0x3  }
0x96: {  	_ =	strace s3  }
0x97: {  	_ =	strace $0x8FFFFFFF  }
0x98: {  	s19 =	sld [smem:$0x3FDB];
	_ =	sdelay $0x1  }
0x99: {  	s4 =	simm.s32 $_scs_section_size  }
0x9a: {  	s5 =	simm.s32 $_size__tile_overlayer_lowered;
	s6 =	simm.s32 $_tile_overlayer_lowered  }
0x9b: {  	s22 =	simm.s32 $0x1BFF;
	s21 =	sshll.u32 s6, $0x1;
	s3 =	sadd.s32 s4, s19  }
0x9c: {  	s7 =	simm.s32 $0x0;
	s20 =	sshll.u32 s5, $0x1;
	s5 =	sadd.s32 s21, s3  }
0x9d: {  	[timem:s7], [sflag:s22] =	dma.local [hbm:s5], s20  }
0x9e: {  	_ =	swait.ge [sflag:s22], s20  }
0x9f: {  	s4 =	ssub.s32 $0x0, s20;
	[sflag:s22] =	ssyncset.done $0x0  }
0xa0: {  	[sflag:s22] =	ssyncadd.s32 s4;
	_ =	sdelay $0x1  }
0xa1: {  	s23 =	simm.s32 $0x1B8B  }
0xa2: {  	_ =	swait.ge [sflag:s23], $0x1  }
0xa3: {  	[sflag:s23] =	ssyncset.done $0x0  }
0xa4: {  	s25 =	simm.s32 $0x1B8E;
	s24 =	sld [smem:$0x3FFE];
	[sflag:s23] =	ssyncadd.s32 $0xFFFFFFFF  }
0xa5: {  	s26 =	simm.s32 $execute0_lowered;
	[smem:$0x3FD2] =	sst s25  }
0xa6: {  	s5 =	sshll.u32 s26, $0x1;
	_ =	strace $0x80000046;
	[dreg:$0x1] =	wrdreg $0xFFFFFFFF  }
0xa7: {  	s28 =	simm.s32 $_size_execute0_lowered;
	s3 =	sadd.s32 s3, s5;
	[dreg:$0x0] =	wrdreg $0x0  }
0xa8: {  	s5 =	sshll.u32 s28, $0x1;
	[dreg:$0x2] =	wrdreg s3  }
0xa9: {  	[dreg:$0x3] =	wrdreg s5  }
0xaa: {  	[dreg:$0x4] =	wrdreg $0xC0  }
0xab: {  	_ =	task [dreg:s7], $0x5FFFF  }
0xac: {  	[dreg:$0x1] =	wrdreg $0xFFFFFFFF  }
0xad: {  	[dreg:$0x0] =	wrdreg $0x60  }
0xae: {  	[dreg:$0x2] =	wrdreg s24  }
0xaf: {  	[dreg:$0x3] =	wrdreg s2  }
0xb0: {  	[dreg:$0x4] =	wrdreg $0x9  }
0xb1: {  	_ =	task.clear_ibuf [dreg:s7], $0x5FFFF;
	_ =	strace $0x90000046  }
0xb2: {  	s29 =	simm.s32 $0x9;
	_ =	strace $0x80000048  }
0xb3: {  	_ =	swait.ge [sflag:s29], $0x1  }
0xb4: {  	[sflag:s29] =	ssyncadd.s32 $0xFFFFFFFF  }
0xb5: {  	_ =	strace $0x90000048  }
0xb6: {  	_ =	sfence  }
0xb7: {  	s30 =	sld [smem:$0x0];
	_ =	sdelay $0x2  }
0xb8: {  	s31 =	sshll.u32 s1, $0xD;
	s1 =	sshrl.u32 s1, $0x2  }
0xb9: {  	s3 =	sand.u32 $0x4000, s31;
	s1 =	sadd.s32 s1, s30  }
0xba: {  	s0 =	sor.u32 s3, s0;
	s1 =	sshll.u32 s1, $0x11  }
0xbb: {  	s0 =	sor.u32 s1, s0  }
0xbc: {  	s0 =	sadd.s32 $0x8F2B, s0  }
0xbd: {  	[sflag:s0] =	ssyncadd.remote.s32 $0x1  }
0xbe: {  	_ =	sfence.sel $0xFFFF  }
0xbf: {  	[dreg:$0x0] =	wrdreg $0xFFFFFFFF;
	(pc) =	sbr.abs _section_cstart, $3  }
0xc0: {  	[dreg:$0x1] =	wrdreg $0xFFFFFFFF  }
0xc1: {  	_ =	task.clear_ibuf [dreg:s7], $0x2FFFF;
	_ =	strace $0x9FFFFFFF  }
0xc2: {  	(tm) =	ssettm $0x7FFFFFFF  }
0xc3: {  	_ =	shalt  }
tec
execute0_lowered:
.L_overlay_start_1:
0x0: {  	(tag) =	ssettag $0x1  }
0x1: {  	s5 =	rddreg [dreg:$0x0]  }
0x2: {  	s1 =	rddreg [dreg:$0x1]  }
0x3: {  	s0 =	rddreg [dreg:$0x2];
	s3 =	simm.s32 $0x0;
	v5 =	vlaneseq.u32  }
0x4: {  	s4 =	srdreg.scid;
	s2 =	stileid.u32;
	s10 =	simm.s32 $0x80;
	v0 =	vmul.u32 $0x8, v5  }
0x5: {  	s11 =	simm.s32 $0xF0;
	s12 =	simm.s32 $0x70F0;
	s13 =	simm.s32 $0x2  }
0x6: {  	vm0 =	vmmov $0xffff;
	s14 =	simm.s32 $0x3;
	s15 =	simm.s32 $0x78F0;
	s16 =	simm.s32 $0x7A00;
	v5 =	vmul.u32 $0x11, v5;
	v1 =	vor.u32 $0x1, v0  }
0x7: {  	s17 =	simm.s32 $0x7B10;
	s18 =	simm.s32 $0x4;
	s19 =	simm.s32 $0x0;
	v2 =	vor.u32 $0x2, v0;
	v3 =	vor.u32 $0x3, v0;
	v4 =	vor.u32 $0x4, v0  }
0x8: {  	[smem:$0x7FF] =	sst s3;
	s6 =	sand.u32 $0x1, s4;
	s7 =	sshll.u32 s2, $0x1;
	v6 =	vor.u32 $0x5, v0;
	v7 =	vor.u32 $0x6, v0;
	v8 =	vor.u32 $0x7, v0  }
0x9: {  	s4 =	sadd.s32 $0xE00, s5;
	_ =	strace $0x80000047;
	s7 =	sor.u32 s6, s7;
	v9 =	vadd.s32 $0x1, v5;
	v10 =	vadd.s32 $0x2, v5;
	v11 =	vadd.s32 $0x3, v5  }
0xa: {  	s6 =	ssub.s32 $0x2, s6;
	s8 =	sshll.u32 s7, $0x4;
	s7 =	sshll.u32 s7, $0x3;
	v12 =	vadd.s32 $0x4, v5;
	v13 =	vadd.s32 $0x5, v5;
	v14 =	vadd.s32 $0x6, v5  }
0xb: {  	s9 =	sshrl.u32 s6, $0x1;
	v15 =	vadd.s32 $0x7, v5;
	v16 =	vadd.s32 $0x8, v5;
	v17 =	vadd.s32 $0x9, v5;
	s8 =	sadd.s32 s8, s5;
	s7 =	sadd.s32 s7, s5  }
0xc: {  	v18 =	vadd.s32 $0xA, v5;
	v19 =	vadd.s32 $0xB, v5;
	v20 =	vadd.s32 $0xC, v5;
	s9 =	ssub.s32 s6, s9;
	s5 =	sadd.s32 $0xC00, s8;
	s6 =	sadd.s32 $0x8C00, s7  }
0xd: {  	v21 =	vadd.s32 $0xD, v5;
	v22 =	vadd.s32 $0xE, v5;
	v23 =	vadd.s32 $0xF, v5;
	s7 =	smax.u32 s9, $0x1;
	s8 =	simm.s32 $0x1;
	s9 =	simm.s32 $0x70  }
.LBB2_1:
0xe: {  	[tilespmem:s3], [sflag:$0x1] =	stream.linear.gather [hbm4b:s5+s3], $0x80, $0x38;
	[tilespmem:$0x7B50] =	vst v63  }
0xf: {  	_ =	swait.ge [sflag:s8], $0x80  }
0x10: {  	[sflag:s8] =	ssyncset.done $0x0  }
0x11: {  	[sflag:s8] =	ssyncadd.s32 $0xFFFFFF80  }
0x12: {  	v24 =	vld.idx.msk [tilespmem:v0+s3+$0x0], $0xffff;
	_ =	sdelay $0x4  }
0x13: {  	[tilespmem:$0x80] =	vst v24  }
0x14: {  	v24 =	vld.idx.msk [tilespmem:v1+s3+$0x0], $0xffff;
	_ =	sdelay $0x4  }
0x15: {  	[tilespmem:$0x90] =	vst v24  }
0x16: {  	v24 =	vld.idx.msk [tilespmem:v2+s3+$0x0], $0xffff;
	_ =	sdelay $0x4  }
0x17: {  	[tilespmem:$0xA0] =	vst v24  }
0x18: {  	v24 =	vld.idx.msk [tilespmem:v3+s3+$0x0], $0xffff;
	_ =	sdelay $0x4  }
0x19: {  	[tilespmem:$0xB0] =	vst v24  }
0x1a: {  	v24 =	vld.idx.msk [tilespmem:v4+s3+$0x0], $0xffff;
	_ =	sdelay $0x4  }
0x1b: {  	[tilespmem:$0xC0] =	vst v24  }
0x1c: {  	v24 =	vld.idx.msk [tilespmem:v6+s3+$0x0], $0xffff;
	_ =	sdelay $0x4  }
0x1d: {  	[tilespmem:$0xD0] =	vst v24  }
0x1e: {  	v24 =	vld.idx.msk [tilespmem:v7+s3+$0x0], $0xffff;
	_ =	sdelay $0x4  }
0x1f: {  	[tilespmem:$0xE0] =	vst v24  }
0x20: {  	v24 =	vld.idx.msk [tilespmem:v8+s3+$0x0], $0xffff;
	_ =	sdelay $0x5  }
0x21: {  	[tilespmem:s11], [sflag:$0x2] =	stream.indirect.gather [hbm4b:s4+s9], $0x100, s10, s9, $0xb8;
	[tilespmem:$0x7B50] =	vst v63  }
0x22: {  	_ = 	snop  }
0x23: {  	[tilespmem:s12], [sflag:$0x3] =	stream.indirect_vreg.gather [hbm4b:s1+s3], $0x80, v24, vm0, $0xb8;
	[tilespmem:$0x7B50] =	vst v63  }
0x24: {  	_ =	swait.ge [sflag:s13], $0x7000  }
0x25: {  	[sflag:s13] =	ssyncset.done $0x0  }
0x26: {  	[sflag:s13] =	ssyncadd.s32 $0xFFFF9000  }
0x27: {  	_ =	swait.ge [sflag:s14], $0x800  }
0x28: {  	[sflag:s14] =	ssyncset.done $0x0  }
0x29: {  	s20 =	simm.s32 $0x0;
	[sflag:s14] =	ssyncadd.s32 $0xFFFFF800  }
0x2a: {  	v25 =	vld [tilespmem:s20+$0x11D0]  }
0x2b: {  	v24 =	vld [tilespmem:s20+$0x1E0]  }
0x2c: {  	v28 =	vld [tilespmem:s20+$0x11C0]  }
0x2d: {  	v29 =	vld [tilespmem:s20+$0x1D0]  }
0x2e: {  	v27 =	vld [tilespmem:s20+$0x160]  }
0x2f: {  	v30 =	vld [tilespmem:s20+$0x1160]  }
0x30: {  	v33 =	vld [tilespmem:s20+$0x11B0]  }
0x31: {  	v35 =	vld [tilespmem:s20+$0x1C0]  }
0x32: {  	v31 =	vld [tilespmem:s20+$0x150]  }
0x33: {  	v36 =	vld [tilespmem:s20+$0x1150]  }
0x34: {  	v38 =	vld [tilespmem:s20+$0x11A0]  }
0x35: {  	v37 =	vld [tilespmem:s20+$0x1B0]  }
0x36: {  	v39 =	vld [tilespmem:s20+$0x140]  }
0x37: {  	v41 =	vld [tilespmem:s20+$0x1140]  }
0x38: {  	v44 =	vld [tilespmem:s20+$0x1190]  }
0x39: {  	v40 =	vld [tilespmem:s20+$0x1A0]  }
0x3a: {  	v34 =	vld [tilespmem:s20+$0x1180]  }
0x3b: {  	v32 =	vld [tilespmem:s20+$0x190]  }
0x3c: {  	v43 =	vld [tilespmem:s20+$0x1170]  }
0x3d: {  	v42 =	vld [tilespmem:s20+$0x180]  }
0x3e: {  	v45 =	vld [tilespmem:s20+$0x170]  }
0x3f: {  	v26 =	vimm.f32 $0.0e+00;
	s21 =	simm.s32 $0x400;
	v46 =	vld [tilespmem:s20+$0xF0]  }
.LBB2_2:
0x40: {  	p0 =	sne.s32 s21, $0x3C00;
	v47 =	vld [tilespmem:s20+$0x10F0]  }
0x41: {  	v48 =	vld [tilespmem:s20+$0x100]  }
0x42: {  	v50 =	vand.u32 $0x7FFFFFFF, v25;
	v49 =	vld [tilespmem:s20+$0x1100]  }
0x43: {  	v51 =	vand.u32 $0x7FFFFFFF, v28;
	v52 =	vand.u32 $0x7FFFFFFF, v29;
	v53 =	vand.u32 $0x7FFFFFFF, v24;
	v25 =	vld [tilespmem:s20+$0x110]  }
0x44: {  	v54 =	vand.u32 $0x7FFFFFFF, v33;
	v55 =	vand.u32 $0x7FFFFFFF, v35;
	v56 =	vsub.f32 v27, v30;
	v24 =	vld [tilespmem:s20+$0x1110]  }
0x45: {  	v35 =	vand.u32 $0x7FFFFFFF, v38;
	v38 =	vsub.f32 v31, v36;
	v27 =	vsub.f32 v46, v47;
	v28 =	vld [tilespmem:s20+$0x120]  }
0x46: {  	v30 =	vand.u32 $0x7FFFFFFF, v44;
	v31 =	vand.u32 $0x7FFFFFFF, v37;
	v36 =	vsub.f32 v39, v41;
	v29 =	vld [tilespmem:s20+$0x1120]  }
0x47: {  	v33 =	vand.u32 $0x7FFFFFFF, v45;
	v27 =	vand.u32 $0x7FFFFFFF, v27;
	v37 =	vsub.f32 v48, v49;
	v39 =	vld [tilespmem:s20+$0x130]  }
0x48: {  	v40 =	vand.u32 $0x7FFFFFFF, v40;
	v27 =	vadd.f32 v27, v33;
	v33 =	vand.u32 $0x7FFFFFFF, v43;
	v41 =	vld [tilespmem:s20+$0x1130]  }
0x49: {  	v42 =	vand.u32 $0x7FFFFFFF, v42;
	v37 =	vand.u32 $0x7FFFFFFF, v37;
	v43 =	vsub.f32 v25, v24;
	v44 =	vld [tilespmem:s20+$0x11E0];
	s20 =	sshra.s32 s21, $0x2  }
0x4a: {  	v34 =	vand.u32 $0x7FFFFFFF, v34;
	v25 =	vld [tilespmem:s20+$0x11D0];
	v27 =	vsub.f32 v27, v33;
	v33 =	vadd.f32 v37, v42  }
0x4b: {  	v32 =	vand.u32 $0x7FFFFFFF, v32;
	v24 =	vld [tilespmem:s20+$0x1E0];
	v37 =	vand.u32 $0x7FFFFFFF, v43;
	v42 =	vsub.f32 v28, v29  }
0x4c: {  	v28 =	vld [tilespmem:s20+$0x11C0];
	v27 =	vmax.f32 v27, $0.0e+00;
	v33 =	vsub.f32 v33, v34;
	v32 =	vadd.f32 v37, v32  }
0x4d: {  	v29 =	vld [tilespmem:s20+$0x1D0];
	v34 =	vmul.f32 v27, v27;
	v37 =	vand.u32 $0x7FFFFFFF, v42;
	v39 =	vsub.f32 v39, v41  }
0x4e: {  	v27 =	vld [tilespmem:s20+$0x160];
	v33 =	vmax.f32 v33, $0.0e+00;
	v32 =	vsub.f32 v32, v30;
	v37 =	vadd.f32 v37, v40  }
0x4f: {  	v30 =	vld [tilespmem:s20+$0x1160];
	v26 =	vadd.f32 v34, v26;
	v34 =	vmul.f32 v33, v33;
	v39 =	vand.u32 $0x7FFFFFFF, v39  }
0x50: {  	v33 =	vld [tilespmem:s20+$0x11B0];
	v32 =	vmax.f32 v32, $0.0e+00;
	v37 =	vsub.f32 v37, v35;
	v39 =	vadd.f32 v39, v31  }
0x51: {  	v35 =	vld [tilespmem:s20+$0x1C0];
	v26 =	vadd.f32 v34, v26;
	v32 =	vmul.f32 v32, v32;
	v34 =	vand.u32 $0x7FFFFFFF, v36  }
0x52: {  	v31 =	vld [tilespmem:s20+$0x150];
	v37 =	vmax.f32 v37, $0.0e+00;
	v39 =	vsub.f32 v39, v54;
	v34 =	vadd.f32 v34, v55  }
0x53: {  	v36 =	vld [tilespmem:s20+$0x1150];
	v26 =	vadd.f32 v32, v26;
	v32 =	vmul.f32 v37, v37;
	v37 =	vand.u32 $0x7FFFFFFF, v38  }
0x54: {  	v38 =	vld [tilespmem:s20+$0x11A0];
	v39 =	vmax.f32 v39, $0.0e+00;
	v34 =	vsub.f32 v34, v51;
	v40 =	vadd.f32 v37, v52  }
0x55: {  	v41 =	vand.u32 $0x7FFFFFFF, v56;
	v37 =	vld [tilespmem:s20+$0x1B0];
	v26 =	vadd.f32 v32, v26;
	v32 =	vmul.f32 v39, v39  }
0x56: {  	v42 =	vadd.f32 v41, v53;
	v39 =	vld [tilespmem:s20+$0x140];
	v34 =	vmax.f32 v34, $0.0e+00;
	v40 =	vsub.f32 v40, v50  }
0x57: {  	v41 =	vld [tilespmem:s20+$0x1140];
	v26 =	vadd.f32 v32, v26;
	v32 =	vmul.f32 v34, v34;
	v34 =	vand.u32 $0x7FFFFFFF, v44  }
0x58: {  	v44 =	vld [tilespmem:s20+$0x1190];
	v43 =	vmax.f32 v40, $0.0e+00;
	v42 =	vsub.f32 v42, v34  }
0x59: {  	v40 =	vld [tilespmem:s20+$0x1A0];
	v26 =	vadd.f32 v32, v26;
	v43 =	vmul.f32 v43, v43  }
0x5a: {  	v34 =	vld [tilespmem:s20+$0x1180];
	v42 =	vmax.f32 v42, $0.0e+00  }
.Ltmp0:
0x5b: {  	v32 =	vld [tilespmem:s20+$0x190];
	v26 =	vadd.f32 v43, v26;
	v45 =	vmul.f32 v42, v42;
	(pc) =	sbr.rel @p0 .LBB2_2-.Ltmp0, $4  }
0x5c: {  	v43 =	vld [tilespmem:s20+$0x1170]  }
0x5d: {  	v42 =	vld [tilespmem:s20+$0x180];
	v26 =	vadd.f32 v45, v26  }
0x5e: {  	v45 =	vld [tilespmem:s20+$0x170]  }
0x5f: {  	s21 =	sadd.s32 $0x400, s21;
	v46 =	vld [tilespmem:s20+$0xF0]  }
0x60: {  	v47 =	vld [tilespmem:s20+$0x10F0]  }
0x61: {  	v48 =	vld [tilespmem:s20+$0x100]  }
0x62: {  	v49 =	vld [tilespmem:s20+$0x1100];
	v25 =	vand.u32 $0x7FFFFFFF, v25  }
0x63: {  	v50 =	vld [tilespmem:s20+$0x110];
	v28 =	vand.u32 $0x7FFFFFFF, v28;
	v29 =	vand.u32 $0x7FFFFFFF, v29;
	v24 =	vand.u32 $0x7FFFFFFF, v24  }
0x64: {  	v51 =	vld [tilespmem:s20+$0x1110];
	v33 =	vand.u32 $0x7FFFFFFF, v33;
	v35 =	vand.u32 $0x7FFFFFFF, v35;
	v27 =	vsub.f32 v27, v30  }
0x65: {  	v55 =	vld [tilespmem:s20+$0x120];
	v38 =	vand.u32 $0x7FFFFFFF, v38;
	v31 =	vsub.f32 v31, v36;
	v54 =	vsub.f32 v46, v47  }
0x66: {  	v56 =	vand.u32 $0x7FFFFFFF, v44;
	v57 =	vld [tilespmem:s20+$0x1120];
	v37 =	vand.u32 $0x7FFFFFFF, v37;
	v39 =	vsub.f32 v39, v41  }
0x67: {  	v60 =	vld [tilespmem:s20+$0x130];
	v58 =	vand.u32 $0x7FFFFFFF, v45;
	v59 =	vsub.f32 v48, v49;
	v30 =	vand.u32 $0x7FFFFFFF, v54  }
0x68: {  	v40 =	vand.u32 $0x7FFFFFFF, v40;
	v62 =	vld [tilespmem:s20+$0x1130];
	v61 =	vand.u32 $0x7FFFFFFF, v43;
	v30 =	vadd.f32 v30, v58  }
0x69: {  	v42 =	vand.u32 $0x7FFFFFFF, v42;
	v63 =	vsub.f32 v50, v51;
	v45 =	vand.u32 $0x7FFFFFFF, v59  }
0x6a: {  	v34 =	vand.u32 $0x7FFFFFFF, v34;
	v50 =	vadd.f32 v45, v42;
	v30 =	vsub.f32 v30, v61  }
0x6b: {  	v32 =	vand.u32 $0x7FFFFFFF, v32;
	v44 =	vsub.f32 v55, v57;
	v51 =	vand.u32 $0x7FFFFFFF, v63  }
0x6c: {  	v32 =	vadd.f32 v51, v32;
	v34 =	vsub.f32 v50, v34;
	v30 =	vmax.f32 v30, $0.0e+00  }
0x6d: {  	v53 =	vsub.f32 v60, v62;
	v52 =	vand.u32 $0x7FFFFFFF, v44;
	v30 =	vmul.f32 v30, v30  }
0x6e: {  	v54 =	vadd.f32 v52, v40;
	v32 =	vsub.f32 v32, v56;
	v34 =	vmax.f32 v34, $0.0e+00  }
0x6f: {  	v56 =	vand.u32 $0x7FFFFFFF, v53;
	v55 =	vmul.f32 v34, v34;
	v26 =	vadd.f32 v30, v26  }
0x70: {  	v36 =	vsub.f32 v54, v38;
	v32 =	vmax.f32 v32, $0.0e+00;
	v34 =	vadd.f32 v56, v37  }
0x71: {  	v58 =	vand.u32 $0x7FFFFFFF, v39;
	v57 =	vmul.f32 v32, v32;
	v26 =	vadd.f32 v55, v26  }
0x72: {  	v59 =	vld [tilespmem:s20+$0x11E0];
	v36 =	vmax.f32 v36, $0.0e+00;
	v32 =	vadd.f32 v58, v35;
	v33 =	vsub.f32 v34, v33  }
0x73: {  	v31 =	vand.u32 $0x7FFFFFFF, v31;
	v60 =	vmul.f32 v36, v36;
	v26 =	vadd.f32 v57, v26  }
0x74: {  	v29 =	vadd.f32 v31, v29;
	v28 =	vsub.f32 v32, v28;
	v33 =	vmax.f32 v33, $0.0e+00  }
0x75: {  	v27 =	vand.u32 $0x7FFFFFFF, v27;
	v61 =	vmul.f32 v33, v33;
	v26 =	vadd.f32 v60, v26  }
0x76: {  	v24 =	vadd.f32 v27, v24;
	v25 =	vsub.f32 v29, v25;
	v28 =	vmax.f32 v28, $0.0e+00  }
0x77: {  	v63 =	vand.u32 $0x7FFFFFFF, v59;
	v62 =	vmul.f32 v28, v28;
	v26 =	vadd.f32 v61, v26  }
0x78: {  	v25 =	vmax.f32 v25, $0.0e+00;
	v24 =	vsub.f32 v24, v63  }
0x79: {  	v25 =	vmul.f32 v25, v25;
	v26 =	vadd.f32 v62, v26  }
0x7a: {  	v24 =	vmax.f32 v24, $0.0e+00  }
0x7b: {  	v24 =	vmul.f32 v24, v24;
	v25 =	vadd.f32 v25, v26;
	_ =	sdelay $0x1  }
0x7c: {  	v24 =	vadd.f32 v24, v25;
	_ =	sdelay $0x1  }
0x7d: {  	s21 =	simm.s32 $0xF0;
	s20 =	simm.s32 $0x0;
	[tilespmem:$0x7B10] =	vst v24  }
.LBB2_4:
0x7e: {  	v24 =	vmov s21;
	_ =	sdelay $0x3  }
0x7f: {  	s23 =	simm.s32 $0x0  }
0x80: {  	v25 =	vld.idx.msk [tilespmem:v24+s23+$0x2000 ss:$0x1], $0xffff  }
0x81: {  	v26 =	vld.idx.msk [tilespmem:v24+s23+$0x2080 ss:$0x1], $0xffff  }
0x82: {  	v27 =	vld.idx.msk [tilespmem:v24+s23+$0x3080 ss:$0x1], $0xffff  }
0x83: {  	v28 =	vld.idx.msk [tilespmem:v24+s23+$0x3000 ss:$0x1], $0xffff;
	_ =	sdelay $0x1  }
0x84: {  	s24 =	simm.s32 $0x10  }
0x85: {  	v29 =	vld.idx.msk [tilespmem:v24+s24+$0x2000 ss:$0x1], $0xffff  }
0x86: {  	v30 =	vld.idx.msk [tilespmem:v24+s24+$0x2080 ss:$0x1], $0xffff;
	v26 =	vand.u32 $0x7FFFFFFF, v26;
	v27 =	vand.u32 $0x7FFFFFFF, v27  }
0x87: {  	s22 =	simm.s32 $0x20;
	v33 =	vld.idx.msk [tilespmem:v24+s24+$0x3080 ss:$0x1], $0xffff;
	v31 =	vsub.f32 v25, v26;
	v32 =	vsub.f32 v28, v27  }
0x88: {  	v37 =	vld.idx.msk [tilespmem:v24+s22+$0x2000 ss:$0x1], $0xffff;
	v25 =	vadd.f32 v26, v25;
	v26 =	vadd.f32 v27, v28  }
0x89: {  	v34 =	vld.idx.msk [tilespmem:v24+s22+$0x2080 ss:$0x1], $0xffff  }
0x8a: {  	v28 =	vld.idx.msk [tilespmem:v24+s23+$0x4000 ss:$0x1], $0xffff;
	v31 =	vmax.f32 v31, v32;
	v25 =	vmin.f32 v25, v26  }
0x8b: {  	v27 =	vld.idx.msk [tilespmem:v24+s24+$0x3000 ss:$0x1], $0xffff;
	v26 =	vadd.f32 v25, v31  }
0x8c: {  	v36 =	vld.idx.msk [tilespmem:v24+s22+$0x3080 ss:$0x1], $0xffff  }
0x8d: {  	v61 =	vld.idx.msk [tilespmem:v24+s23+$0x4080 ss:$0x1], $0xffff;
	v30 =	vand.u32 $0x7FFFFFFF, v30;
	v25 =	vsub.f32 v31, v25;
	v26 =	vmul.f32 $5.000000000e-01, v26  }
0x8e: {  	v40 =	vld.idx.msk [tilespmem:v24+s22+$0x3000 ss:$0x1], $0xffff;
	v33 =	vand.u32 $0x7FFFFFFF, v33;
	v39 =	vand.u32 $0x7FFFFFFF, v34;
	v31 =	vsub.f32 v29, v30  }
0x8f: {  	v29 =	vadd.f32 v30, v29;
	v26 =	vsub.f32 v26, v28;
	v28 =	vand.u32 $0x7FFFFFFF, v25  }
0x90: {  	v35 =	vsub.f32 v27, v33;
	v27 =	vadd.f32 v33, v27;
	v28 =	vmul.f32 $5.000000000e-01, v28  }
0x91: {  	v41 =	vand.u32 $0x7FFFFFFF, v36;
	v36 =	vsub.f32 v37, v39;
	v26 =	vand.u32 $0x7FFFFFFF, v26  }
0x92: {  	v30 =	vld.idx.msk [tilespmem:v24+s24+$0x4000 ss:$0x1], $0xffff;
	v31 =	vmax.f32 v31, v35;
	v27 =	vmin.f32 v29, v27;
	v62 =	vadd.f32 v26, v28  }
0x93: {  	s23 =	simm.s32 $0x30;
	v38 =	vsub.f32 v40, v41;
	v32 =	vand.u32 $0x7FFFFFFF, v61;
	v35 =	vadd.f32 v27, v31  }
0x94: {  	v39 =	vadd.f32 v39, v37;
	v34 =	vld.idx.msk [tilespmem:v24+s23+$0x2080 ss:$0x1], $0xffff;
	v32 =	vsub.f32 v62, v32  }
0x95: {  	v29 =	vmax.f32 v25, $0.0e+00;
	v31 =	vsub.f32 v31, v27;
	v28 =	vld.idx.msk [tilespmem:v24+s24+$0x4080 ss:$0x1], $0xffff;
	v63 =	vmul.f32 $5.000000000e-01, v35  }
0x96: {  	v40 =	vadd.f32 v41, v40;
	v26 =	vmul.f32 v29, v29;
	v29 =	vld.idx.msk [tilespmem:v24+s23+$0x2000 ss:$0x1], $0xffff;
	v27 =	vmax.f32 v32, $0.0e+00  }
0x97: {  	v33 =	vld.idx.msk [tilespmem:v24+s23+$0x3080 ss:$0x1], $0xffff;
	v42 =	vand.u32 $0x7FFFFFFF, v31;
	v35 =	vsub.f32 v63, v30;
	v32 =	vmul.f32 v27, v27  }
0x98: {  	v25 =	vimm.f32 $0.0e+00;
	s24 =	simm.s32 $0x100;
	v37 =	vmul.f32 $5.000000000e-01, v42;
	v30 =	vld.idx.msk [tilespmem:v24+s23+$0x3000 ss:$0x1], $0xffff;
	v27 =	vimm.f32 $0.0e+00  }
.LBB2_5:
0x99: {  	p0 =	sne.s32 s24, $0x1C0;
	v41 =	vld.idx.msk [tilespmem:v24+s22+$0x4000 ss:$0x1], $0xffff;
	v35 =	vand.u32 $0x7FFFFFFF, v35;
	v31 =	vmax.f32 v31, $0.0e+00;
	v25 =	vadd.f32 v32, v25  }
0x9a: {  	v32 =	vmax.f32 v36, v38;
	v36 =	vmin.f32 v39, v40;
	v35 =	vadd.f32 v35, v37  }
0x9b: {  	v38 =	vand.u32 $0x7FFFFFFF, v28;
	v39 =	vmul.f32 v31, v31;
	v40 =	vmovc v29;
	v37 =	vadd.f32 v36, v32  }
.Ltmp1:
0x9c: {  	v27 =	vadd.f32 v26, v27;
	v42 =	vand.u32 $0x7FFFFFFF, v34;
	v28 =	vld.idx.msk [tilespmem:v24+s22+$0x4080 ss:$0x1], $0xffff;
	v35 =	vsub.f32 v35, v38;
	s22 =	smov.u32 s23;
	s23 =	sshra.s32 s24, $0x2;
	(pc) =	sbr.rel @p0 .LBB2_5-.Ltmp1, $4  }
0x9d: {  	v31 =	vsub.f32 v32, v36;
	v43 =	vand.u32 $0x7FFFFFFF, v33;
	v26 =	vmovc v39;
	v29 =	vld.idx.msk [tilespmem:v24+s23+$0x2000 ss:$0x1], $0xffff;
	v32 =	vmul.f32 $5.000000000e-01, v37  }
0x9e: {  	v36 =	vsub.f32 v40, v42;
	v38 =	vsub.f32 v30, v43;
	v34 =	vld.idx.msk [tilespmem:v24+s23+$0x2080 ss:$0x1], $0xffff;
	v37 =	vmax.f32 v35, $0.0e+00  }
0x9f: {  	v33 =	vld.idx.msk [tilespmem:v24+s23+$0x3080 ss:$0x1], $0xffff;
	v35 =	vsub.f32 v32, v41;
	v41 =	vand.u32 $0x7FFFFFFF, v31;
	v32 =	vmul.f32 v37, v37  }
0xa0: {  	s24 =	sadd.s32 $0x40, s24;
	v39 =	vadd.f32 v42, v40;
	v40 =	vadd.f32 v43, v30;
	v30 =	vld.idx.msk [tilespmem:v24+s23+$0x3000 ss:$0x1], $0xffff;
	v37 =	vmul.f32 $5.000000000e-01, v41  }
0xa1: {  	_ =	sdelay $0x1  }
0xa2: {  	v36 =	vmax.f32 v36, v38;
	v34 =	vand.u32 $0x7FFFFFFF, v34  }
0xa3: {  	v33 =	vand.u32 $0x7FFFFFFF, v33;
	v41 =	vsub.f32 v29, v34;
	v44 =	vadd.f32 v34, v29  }
0xa4: {  	v63 =	vld.idx.msk [tilespmem:v24+s22+$0x4000 ss:$0x1], $0xffff;
	v62 =	vmin.f32 v39, v40;
	v45 =	vsub.f32 v30, v33;
	v46 =	vadd.f32 v33, v30  }
0xa5: {  	v35 =	vand.u32 $0x7FFFFFFF, v35;
	v31 =	vmax.f32 v31, $0.0e+00;
	v39 =	vadd.f32 v62, v36  }
0xa6: {  	v48 =	vld.idx.msk [tilespmem:v24+s23+$0x4000 ss:$0x1], $0xffff;
	v49 =	vsub.f32 v36, v62;
	v34 =	vmax.f32 v41, v45;
	v29 =	vmin.f32 v44, v46  }
0xa7: {  	v28 =	vand.u32 $0x7FFFFFFF, v28;
	v47 =	vmul.f32 $5.000000000e-01, v39;
	v50 =	vadd.f32 v29, v34  }
0xa8: {  	v51 =	vld.idx.msk [tilespmem:v24+s22+$0x4080 ss:$0x1], $0xffff;
	v25 =	vadd.f32 v32, v25;
	v26 =	vadd.f32 v26, v27;
	v52 =	vand.u32 $0x7FFFFFFF, v49  }
0xa9: {  	v33 =	vsub.f32 v47, v63;
	v29 =	vsub.f32 v34, v29;
	v53 =	vmul.f32 $5.000000000e-01, v50  }
0xaa: {  	v55 =	vld.idx.msk [tilespmem:v24+s23+$0x4080 ss:$0x1], $0xffff;
	v35 =	vadd.f32 v35, v37;
	v31 =	vmul.f32 v31, v31;
	v54 =	vmul.f32 $5.000000000e-01, v52  }
0xab: {  	v33 =	vand.u32 $0x7FFFFFFF, v33;
	v56 =	vand.u32 $0x7FFFFFFF, v29;
	v34 =	vsub.f32 v53, v48  }
0xac: {  	v28 =	vsub.f32 v35, v28;
	v33 =	vadd.f32 v33, v54;
	v57 =	vmul.f32 $5.000000000e-01, v56  }
0xad: {  	v26 =	vadd.f32 v31, v26;
	v58 =	vand.u32 $0x7FFFFFFF, v51;
	v34 =	vand.u32 $0x7FFFFFFF, v34  }
0xae: {  	v28 =	vmax.f32 v28, $0.0e+00;
	v32 =	vsub.f32 v33, v58;
	v59 =	vadd.f32 v34, v57  }
0xaf: {  	v30 =	vmax.f32 v49, $0.0e+00;
	v24 =	vand.u32 $0x7FFFFFFF, v55;
	v28 =	vmul.f32 v28, v28  }
0xb0: {  	v61 =	vmul.f32 v30, v30;
	v60 =	vmax.f32 v32, $0.0e+00;
	v24 =	vsub.f32 v59, v24  }
0xb1: {  	s31 =	smul.u32 $0x11, s20;
	s20 =	sadd.s32 $0x1, s20;
	v25 =	vadd.f32 v28, v25;
	v29 =	vmax.f32 v29, $0.0e+00;
	v27 =	vmul.f32 v60, v60  }
0xb2: {  	p0 =	sne.s32 s20, $0x10;
	v26 =	vadd.f32 v61, v26;
	v62 =	vmul.f32 v29, v29;
	v24 =	vmax.f32 v24, $0.0e+00  }
.Ltmp2:
0xb3: {  	v25 =	vadd.f32 v27, v25;
	v24 =	vmul.f32 v24, v24;
	(pc) =	sbr.rel @p0 .LBB2_4-.Ltmp2, $4  }
0xb4: {  	v63 =	vadd.f32 v62, v26  }
0xb5: {  	v24 =	vadd.f32 v24, v25  }
0xb6: {  	[tilespmem:s31+$0x7A00] =	vst v63  }
0xb7: {  	s21 =	sadd.s32 $0x100, s21;
	[tilespmem:s31+$0x78F0] =	vst v24  }
0xb8: {  	s20 =	simm.s32 $0x0  }
0xb9: {  	v28 =	vld [tilespmem:s20+$0x61D0]  }
0xba: {  	v29 =	vld [tilespmem:s20+$0x51E0]  }
0xbb: {  	v32 =	vld [tilespmem:s20+$0x61C0]  }
0xbc: {  	v30 =	vld [tilespmem:s20+$0x51D0]  }
0xbd: {  	s21 =	simm.s32 $0x7130;
	v24 =	vld [tilespmem:s20+$0x6160]  }
0xbe: {  	v31 =	vld [tilespmem:s21+$0x30]  }
0xbf: {  	v33 =	vld [tilespmem:s20+$0x61B0]  }
0xc0: {  	v35 =	vld [tilespmem:s20+$0x51C0]  }
0xc1: {  	v25 =	vld [tilespmem:s20+$0x6150]  }
0xc2: {  	v36 =	vld [tilespmem:s20+$0x5160]  }
0xc3: {  	v34 =	vld [tilespmem:s21+$0x20]  }
0xc4: {  	v37 =	vld [tilespmem:s20+$0x61A0]  }
0xc5: {  	v39 =	vld [tilespmem:s20+$0x51B0]  }
0xc6: {  	v26 =	vld [tilespmem:s20+$0x6140]  }
0xc7: {  	v40 =	vld [tilespmem:s20+$0x5150]  }
0xc8: {  	v38 =	vld [tilespmem:s21+$0x10]  }
0xc9: {  	v46 =	vld [tilespmem:s20+$0x6190]  }
0xca: {  	v43 =	vld [tilespmem:s20+$0x51A0]  }
0xcb: {  	v44 =	vld [tilespmem:s20+$0x5140]  }
0xcc: {  	v49 =	vld [tilespmem:s21+$0x0]  }
0xcd: {  	v45 =	vld [tilespmem:s20+$0x6180]  }
0xce: {  	v50 =	vld [tilespmem:s20+$0x5130]  }
0xcf: {  	v41 =	vld [tilespmem:s21+$0xFFFFFFF0]  }
0xd0: {  	v48 =	vld [tilespmem:s20+$0x6170]  }
0xd1: {  	v47 =	vld [tilespmem:s20+$0x5120]  }
0xd2: {  	v42 =	vld [tilespmem:s21+$0xFFFFFFE0]  }
0xd3: {  	v51 =	vld [tilespmem:s20+$0x5170]  }
0xd4: {  	v52 =	vld [tilespmem:s21+$0xFFFFFFD0]  }
0xd5: {  	v27 =	vimm.f32 $0.0e+00;
	s22 =	simm.s32 $0x400;
	v53 =	vld [tilespmem:s21+$0xFFFFFFC0]  }
.LBB2_8:
0xd6: {  	p0 =	sne.s32 s22, $0x3C00;
	v54 =	vld [tilespmem:s20+$0x50F0]  }
0xd7: {  	v55 =	vld [tilespmem:s20+$0x60F0]  }
0xd8: {  	v57 =	vand.u32 $0x7FFFFFFF, v32;
	v58 =	vand.u32 $0x7FFFFFFF, v28;
	v59 =	vand.u32 $0x7FFFFFFF, v29;
	v56 =	vld [tilespmem:s20+$0x5100]  }
0xd9: {  	v60 =	vand.u32 $0x7FFFFFFF, v33;
	v61 =	vand.u32 $0x7FFFFFFF, v35;
	v62 =	vand.u32 $0x7FFFFFFF, v30;
	v28 =	vld [tilespmem:s20+$0x6100]  }
0xda: {  	v37 =	vand.u32 $0x7FFFFFFF, v37;
	v39 =	vand.u32 $0x7FFFFFFF, v39;
	v30 =	vadd.f32 v31, v36;
	v29 =	vld [tilespmem:s20+$0x5110]  }
0xdb: {  	v33 =	vand.u32 $0x7FFFFFFF, v46;
	v34 =	vadd.f32 v34, v40;
	v31 =	vadd.f32 v53, v54;
	v32 =	vld [tilespmem:s20+$0x5180]  }
0xdc: {  	v36 =	vand.u32 $0x7FFFFFFF, v43;
	v40 =	vadd.f32 v49, v50;
	v38 =	vadd.f32 v38, v44;
	v35 =	vld [tilespmem:s20+$0x6110]  }
0xdd: {  	v44 =	vand.u32 $0x7FFFFFFF, v45;
	v31 =	vsub.f32 v31, v55;
	v43 =	vadd.f32 v52, v56;
	v45 =	vld [tilespmem:s20+$0x5190]  }
0xde: {  	v48 =	vand.u32 $0x7FFFFFFF, v48;
	v41 =	vadd.f32 v41, v47;
	v46 =	vand.u32 $0x7FFFFFFF, v51;
	v49 =	vld [tilespmem:s20+$0x6120]  }
0xdf: {  	v31 =	vand.u32 $0x7FFFFFFF, v31;
	v43 =	vsub.f32 v43, v28;
	v29 =	vadd.f32 v42, v29;
	v42 =	vld [tilespmem:s20+$0x61E0]  }
0xe0: {  	v47 =	vsub.f32 v30, v24;
	v31 =	vadd.f32 v31, v46;
	v32 =	vand.u32 $0x7FFFFFFF, v32;
	v46 =	vld [tilespmem:s20+$0x6130];
	s20 =	sshra.s32 s22, $0x2  }
0xe1: {  	v28 =	vld [tilespmem:s20+$0x61D0];
	v24 =	vand.u32 $0x7FFFFFFF, v43;
	v30 =	vsub.f32 v29, v35;
	v43 =	vsub.f32 v34, v25  }
0xe2: {  	v29 =	vld [tilespmem:s20+$0x51E0];
	v25 =	vsub.f32 v31, v48;
	v24 =	vadd.f32 v24, v32;
	v31 =	vand.u32 $0x7FFFFFFF, v45  }
0xe3: {  	v26 =	vsub.f32 v38, v26;
	v32 =	vld [tilespmem:s20+$0x61C0];
	v34 =	vand.u32 $0x7FFFFFFF, v30;
	v35 =	vsub.f32 v41, v49  }
0xe4: {  	v30 =	vld [tilespmem:s20+$0x51D0];
	v25 =	vmax.f32 v25, $0.0e+00;
	v38 =	vsub.f32 v24, v44;
	v34 =	vadd.f32 v34, v31  }
0xe5: {  	s21 =	sadd.s32 $0x80, s21;
	v24 =	vld [tilespmem:s20+$0x6160];
	v25 =	vmul.f32 v25, v25;
	v35 =	vand.u32 $0x7FFFFFFF, v35;
	v40 =	vsub.f32 v40, v46  }
0xe6: {  	v31 =	vld [tilespmem:s21+$0x30];
	v38 =	vmax.f32 v38, $0.0e+00;
	v34 =	vsub.f32 v34, v33;
	v36 =	vadd.f32 v35, v36  }
0xe7: {  	v33 =	vld [tilespmem:s20+$0x61B0];
	v27 =	vadd.f32 v25, v27;
	v38 =	vmul.f32 v38, v38;
	v25 =	vand.u32 $0x7FFFFFFF, v40  }
0xe8: {  	v35 =	vld [tilespmem:s20+$0x51C0];
	v34 =	vmax.f32 v34, $0.0e+00;
	v37 =	vsub.f32 v36, v37;
	v39 =	vadd.f32 v25, v39  }
0xe9: {  	v26 =	vand.u32 $0x7FFFFFFF, v26;
	v25 =	vld [tilespmem:s20+$0x6150];
	v27 =	vadd.f32 v38, v27;
	v38 =	vmul.f32 v34, v34  }
0xea: {  	v26 =	vadd.f32 v26, v61;
	v36 =	vld [tilespmem:s20+$0x5160];
	v37 =	vmax.f32 v37, $0.0e+00;
	v39 =	vsub.f32 v39, v60  }
0xeb: {  	v40 =	vand.u32 $0x7FFFFFFF, v43;
	v34 =	vld [tilespmem:s21+$0x20];
	v27 =	vadd.f32 v38, v27;
	v38 =	vmul.f32 v37, v37  }
0xec: {  	v43 =	vsub.f32 v26, v57;
	v40 =	vadd.f32 v40, v62;
	v37 =	vld [tilespmem:s20+$0x61A0];
	v41 =	vmax.f32 v39, $0.0e+00  }
0xed: {  	v39 =	vld [tilespmem:s20+$0x51B0];
	v27 =	vadd.f32 v38, v27;
	v38 =	vmul.f32 v41, v41;
	v41 =	vand.u32 $0x7FFFFFFF, v47  }
0xee: {  	v43 =	vmax.f32 v43, $0.0e+00;
	v44 =	vsub.f32 v40, v58;
	v26 =	vld [tilespmem:s20+$0x6140];
	v41 =	vadd.f32 v41, v59  }
0xef: {  	v42 =	vand.u32 $0x7FFFFFFF, v42;
	v43 =	vmul.f32 v43, v43;
	v40 =	vld [tilespmem:s20+$0x5150];
	v27 =	vadd.f32 v38, v27  }
0xf0: {  	v44 =	vmax.f32 v44, $0.0e+00;
	v38 =	vld [tilespmem:s21+$0x10];
	v41 =	vsub.f32 v41, v42  }
0xf1: {  	v42 =	vmul.f32 v44, v44;
	v46 =	vld [tilespmem:s20+$0x6190];
	v27 =	vadd.f32 v43, v27  }
0xf2: {  	v43 =	vld [tilespmem:s20+$0x51A0];
	v41 =	vmax.f32 v41, $0.0e+00  }
0xf3: {  	v44 =	vld [tilespmem:s20+$0x5140];
	v27 =	vadd.f32 v42, v27;
	v41 =	vmul.f32 v41, v41  }
0xf4: {  	v49 =	vld [tilespmem:s21+$0x0]  }
0xf5: {  	v45 =	vld [tilespmem:s20+$0x6180];
	v27 =	vadd.f32 v41, v27  }
0xf6: {  	v50 =	vld [tilespmem:s20+$0x5130]  }
0xf7: {  	v41 =	vld [tilespmem:s21+$0xFFFFFFF0]  }
0xf8: {  	v48 =	vld [tilespmem:s20+$0x6170]  }
.Ltmp3:
0xf9: {  	v47 =	vld [tilespmem:s20+$0x5120];
	(pc) =	sbr.rel @p0 .LBB2_8-.Ltmp3, $4  }
0xfa: {  	v42 =	vld [tilespmem:s21+$0xFFFFFFE0]  }
0xfb: {  	v51 =	vld [tilespmem:s20+$0x5170]  }
0xfc: {  	v52 =	vld [tilespmem:s21+$0xFFFFFFD0]  }
0xfd: {  	s22 =	sadd.s32 $0x400, s22;
	v53 =	vld [tilespmem:s21+$0xFFFFFFC0]  }
0xfe: {  	v54 =	vld [tilespmem:s20+$0x50F0]  }
0xff: {  	v55 =	vld [tilespmem:s20+$0x60F0]  }
0x100: {  	v56 =	vld [tilespmem:s20+$0x5100];
	v32 =	vand.u32 $0x7FFFFFFF, v32;
	v28 =	vand.u32 $0x7FFFFFFF, v28;
	v29 =	vand.u32 $0x7FFFFFFF, v29  }
0x101: {  	v57 =	vld [tilespmem:s20+$0x6100];
	v33 =	vand.u32 $0x7FFFFFFF, v33;
	v35 =	vand.u32 $0x7FFFFFFF, v35;
	v30 =	vand.u32 $0x7FFFFFFF, v30  }
0x102: {  	v58 =	vld [tilespmem:s20+$0x5110];
	v37 =	vand.u32 $0x7FFFFFFF, v37;
	v39 =	vand.u32 $0x7FFFFFFF, v39;
	v31 =	vadd.f32 v31, v36  }
0x103: {  	v63 =	vld [tilespmem:s20+$0x5180];
	v46 =	vand.u32 $0x7FFFFFFF, v46;
	v34 =	vadd.f32 v34, v40;
	v62 =	vadd.f32 v53, v54  }
0x104: {  	v40 =	vld [tilespmem:s20+$0x6110];
	v43 =	vand.u32 $0x7FFFFFFF, v43;
	v49 =	vadd.f32 v49, v50;
	v38 =	vadd.f32 v38, v44  }
0x105: {  	v60 =	vld [tilespmem:s20+$0x5190];
	v48 =	vand.u32 $0x7FFFFFFF, v48;
	v59 =	vadd.f32 v52, v56;
	v36 =	vsub.f32 v62, v55  }
0x106: {  	v61 =	vld [tilespmem:s20+$0x6120];
	v41 =	vadd.f32 v41, v47;
	v51 =	vand.u32 $0x7FFFFFFF, v51;
	v24 =	vsub.f32 v31, v24  }
0x107: {  	v42 =	vadd.f32 v42, v58;
	v44 =	vsub.f32 v59, v57;
	v36 =	vand.u32 $0x7FFFFFFF, v36  }
0x108: {  	v25 =	vsub.f32 v34, v25;
	v62 =	vand.u32 $0x7FFFFFFF, v63;
	v63 =	vld [tilespmem:s20+$0x6130];
	v36 =	vadd.f32 v36, v51  }
0x109: {  	v26 =	vsub.f32 v38, v26;
	v40 =	vsub.f32 v42, v40;
	v54 =	vand.u32 $0x7FFFFFFF, v44  }
0x10a: {  	v45 =	vand.u32 $0x7FFFFFFF, v45;
	v31 =	vadd.f32 v54, v62;
	v55 =	vsub.f32 v36, v48  }
0x10b: {  	v56 =	vand.u32 $0x7FFFFFFF, v60;
	v41 =	vsub.f32 v41, v61;
	v40 =	vand.u32 $0x7FFFFFFF, v40  }
0x10c: {  	v31 =	vsub.f32 v31, v45;
	v36 =	vadd.f32 v40, v56;
	v34 =	vmax.f32 v55, $0.0e+00  }
0x10d: {  	v57 =	vand.u32 $0x7FFFFFFF, v41;
	v58 =	vsub.f32 v49, v63;
	v34 =	vmul.f32 v34, v34  }
0x10e: {  	v38 =	vadd.f32 v57, v43;
	v31 =	vmax.f32 v31, $0.0e+00;
	v36 =	vsub.f32 v36, v46  }
0x10f: {  	v59 =	vand.u32 $0x7FFFFFFF, v58;
	v31 =	vmul.f32 v31, v31;
	v27 =	vadd.f32 v34, v27  }
0x110: {  	v37 =	vsub.f32 v38, v37;
	v36 =	vmax.f32 v36, $0.0e+00;
	v34 =	vadd.f32 v59, v39  }
0x111: {  	v26 =	vand.u32 $0x7FFFFFFF, v26;
	v60 =	vmul.f32 v36, v36;
	v27 =	vadd.f32 v31, v27  }
0x112: {  	v61 =	vld [tilespmem:s20+$0x61E0];
	v26 =	vadd.f32 v26, v35;
	v37 =	vmax.f32 v37, $0.0e+00;
	v33 =	vsub.f32 v34, v33  }
0x113: {  	v25 =	vand.u32 $0x7FFFFFFF, v25;
	v62 =	vmul.f32 v37, v37;
	v27 =	vadd.f32 v60, v27  }
0x114: {  	v25 =	vadd.f32 v25, v30;
	v26 =	vsub.f32 v26, v32;
	v33 =	vmax.f32 v33, $0.0e+00  }
0x115: {  	v24 =	vand.u32 $0x7FFFFFFF, v24;
	v63 =	vmul.f32 v33, v33;
	v27 =	vadd.f32 v62, v27  }
0x116: {  	v24 =	vadd.f32 v24, v29;
	v25 =	vsub.f32 v25, v28;
	v26 =	vmax.f32 v26, $0.0e+00  }
0x117: {  	v26 =	vmul.f32 v26, v26;
	v32 =	vand.u32 $0x7FFFFFFF, v61;
	v27 =	vadd.f32 v63, v27  }
0x118: {  	v25 =	vmax.f32 v25, $0.0e+00;
	v24 =	vsub.f32 v24, v32  }
0x119: {  	v25 =	vmul.f32 v25, v25;
	v26 =	vadd.f32 v26, v27  }
0x11a: {  	v24 =	vmax.f32 v24, $0.0e+00  }
0x11b: {  	v24 =	vmul.f32 v24, v24;
	v25 =	vadd.f32 v25, v26;
	_ =	sdelay $0x1  }
0x11c: {  	v24 =	vadd.f32 v24, v25;
	_ =	sdelay $0x1  }
0x11d: {  	[tilespmem:$0x7B40] =	vst v24  }
0x11e: {  	v24 =	vld.idx.msk [tilespmem:v5+s15+$0x0], $0xffff  }
0x11f: {  	v33 =	vld.idx.msk [tilespmem:v5+s16+$0x0], $0xffff  }
0x120: {  	v34 =	vld.idx.msk [tilespmem:v9+s15+$0x0], $0xffff  }
0x121: {  	v35 =	vld.idx.msk [tilespmem:v9+s16+$0x0], $0xffff  }
0x122: {  	v36 =	vld.idx.msk [tilespmem:v10+s15+$0x0], $0xffff  }
0x123: {  	v37 =	vld.idx.msk [tilespmem:v10+s16+$0x0], $0xffff;
	v24 =	vadd.f32 $0.0e+00, v24  }
0x124: {  	v38 =	vld.idx.msk [tilespmem:v11+s15+$0x0], $0xffff;
	v25 =	vadd.f32 $0.0e+00, v33  }
0x125: {  	v39 =	vld.idx.msk [tilespmem:v11+s16+$0x0], $0xffff;
	v24 =	vadd.f32 v34, v24  }
0x126: {  	v40 =	vld.idx.msk [tilespmem:v12+s15+$0x0], $0xffff;
	v25 =	vadd.f32 v35, v25  }
0x127: {  	v41 =	vld.idx.msk [tilespmem:v12+s16+$0x0], $0xffff;
	v24 =	vadd.f32 v36, v24  }
0x128: {  	v42 =	vld.idx.msk [tilespmem:v13+s15+$0x0], $0xffff;
	v25 =	vadd.f32 v37, v25  }
0x129: {  	v43 =	vld.idx.msk [tilespmem:v13+s16+$0x0], $0xffff;
	v24 =	vadd.f32 v38, v24  }
0x12a: {  	v44 =	vld.idx.msk [tilespmem:v14+s15+$0x0], $0xffff;
	v25 =	vadd.f32 v39, v25  }
0x12b: {  	v45 =	vld.idx.msk [tilespmem:v14+s16+$0x0], $0xffff;
	v24 =	vadd.f32 v40, v24  }
0x12c: {  	v46 =	vld.idx.msk [tilespmem:v15+s15+$0x0], $0xffff;
	v25 =	vadd.f32 v41, v25  }
0x12d: {  	v47 =	vld.idx.msk [tilespmem:v15+s16+$0x0], $0xffff;
	v24 =	vadd.f32 v42, v24  }
0x12e: {  	v48 =	vld.idx.msk [tilespmem:v16+s15+$0x0], $0xffff;
	v25 =	vadd.f32 v43, v25  }
0x12f: {  	v49 =	vld.idx.msk [tilespmem:v16+s16+$0x0], $0xffff;
	v24 =	vadd.f32 v44, v24  }
0x130: {  	v50 =	vld.idx.msk [tilespmem:v17+s15+$0x0], $0xffff;
	v25 =	vadd.f32 v45, v25  }
0x131: {  	v51 =	vld.idx.msk [tilespmem:v17+s16+$0x0], $0xffff;
	v24 =	vadd.f32 v46, v24  }
0x132: {  	v52 =	vld.idx.msk [tilespmem:v18+s15+$0x0], $0xffff;
	v25 =	vadd.f32 v47, v25  }
0x133: {  	v53 =	vld.idx.msk [tilespmem:v18+s16+$0x0], $0xffff;
	v24 =	vadd.f32 v48, v24  }
0x134: {  	v54 =	vld.idx.msk [tilespmem:v19+s15+$0x0], $0xffff;
	v25 =	vadd.f32 v49, v25  }
0x135: {  	v55 =	vld.idx.msk [tilespmem:v19+s16+$0x0], $0xffff;
	v24 =	vadd.f32 v50, v24  }
0x136: {  	v56 =	vld.idx.msk [tilespmem:v20+s15+$0x0], $0xffff;
	v25 =	vadd.f32 v51, v25  }
0x137: {  	v57 =	vld.idx.msk [tilespmem:v20+s16+$0x0], $0xffff;
	v24 =	vadd.f32 v52, v24  }
0x138: {  	v58 =	vld.idx.msk [tilespmem:v21+s15+$0x0], $0xffff;
	v25 =	vadd.f32 v53, v25  }
0x139: {  	v59 =	vld.idx.msk [tilespmem:v21+s16+$0x0], $0xffff;
	v24 =	vadd.f32 v54, v24  }
0x13a: {  	v60 =	vld.idx.msk [tilespmem:v22+s15+$0x0], $0xffff;
	v25 =	vadd.f32 v55, v25  }
0x13b: {  	v61 =	vld.idx.msk [tilespmem:v22+s16+$0x0], $0xffff;
	v24 =	vadd.f32 v56, v24  }
0x13c: {  	v62 =	vld.idx.msk [tilespmem:v23+s15+$0x0], $0xffff;
	v25 =	vadd.f32 v57, v25  }
0x13d: {  	v63 =	vld.idx.msk [tilespmem:v23+s16+$0x0], $0xffff;
	v24 =	vadd.f32 v58, v24  }
0x13e: {  	v25 =	vadd.f32 v59, v25  }
0x13f: {  	v24 =	vadd.f32 v60, v24  }
0x140: {  	v25 =	vadd.f32 v61, v25  }
0x141: {  	v24 =	vadd.f32 v62, v24  }
0x142: {  	s19 =	sadd.s32 $0x1, s19;
	v25 =	vadd.f32 v63, v25  }
0x143: {  	p0 =	sne.s32 s19, s7;
	[tilespmem:$0x7B20] =	vst v24  }
.Ltmp4:
0x144: {  	[tilespmem:$0x7B30] =	vst v25;
	(pc) =	sbr.rel @p0 .LBB2_1-.Ltmp4, $4  }
0x145: {  	[hbm4b:s6+s3] =	stream.linear.scatter [tilespmem:s17], [sflag:$0x4], $0x40, $0x38;
	[tilespmem:$0x7B50] =	vst v63  }
0x146: {  	_ =	swait.ge [sflag:s18], $0x40  }
0x147: {  	[sflag:s18] =	ssyncset.done $0x0  }
0x148: {  	[sflag:s18] =	ssyncadd.s32 $0xFFFFFFC0  }
0x149: {  	_ =	sfence.sel $0x180000  }
0x14a: {  	[bflag:$0x0] =	sbarrier.arrive $0xFFFF  }
0x14b: {  	p0 =	sne.s32 s2, $0x0;
	_ =	strace $0x90000047  }
0x14c: {  	s0 =	sadd.s32 @!p0 $0x100000, s0;
	[bflag:$0x2] =	sbarrier.arrive $0xFFFF  }
0x14d: {  	[sflag:s0] =	ssyncadd.tile.s32 @!p0 $0x1;
	_ =	shalt  }
.Lfunc_end2:
_tile_overlayer_lowered:
.L_overlay_start_2:
0x14e: {  	(tag) =	ssettag $0x2  }
0x14f: {  	s0 =	rddreg [dreg:$0x0];
	s2 =	stileid.u32  }
0x150: {  	s1 =	rddreg [dreg:$0x1];
	p0 =	sne.s32 s2, $0x0  }
0x151: {  	s3 =	rddreg [dreg:$0x2];
	[bflag:$0x3] =	sbarrier.arrive $0xFFFF;
	s2 =	simm.s32 @!p0 $0x1C04  }
0x152: {  	[timem:s3], [sflag:s2] =	dma.local @!p0 [hbm:s0], s1  }
0x153: {  	s0 =	simm.s32 @!p0 $0x4  }
0x154: {  	_ =	swait.ge @!p0 [sflag:s0], s1  }
0x155: {  	s1 =	ssub.s32 @!p0 $0x0, s1;
	[sflag:s0] =	ssyncset.done @!p0 $0x0  }
0x156: {  	[sflag:s0] =	ssyncadd.s32 @!p0 s1  }
0x157: {  	[bflag:$0x3] =	sbarrier.arrive $0xFFFF  }
0x158: {  	_ =	shalt  }

</sc_bundles>
